<compile_context>
chip_gen: v7x
topology: tpu7x:2x2x1
jax: 0.10.2.dev20260603
libtpu: 0.0.44.dev20260713+nightly
codegen_flags: <defaults>
</compile_context>

<pallas_src>
import jax
import jax.numpy as jnp
from jax import lax
from jax.experimental import pallas as pl
from jax.experimental.pallas import tpu as pltpu
from jax.experimental.pallas import tpu_sc as plsc

_LANES = 16
_NUM_WORKERS = 16
_ROWS_PER_WORKER = 2


def _make_kernel(H, W, F):
    assert H == _NUM_WORKERS * _ROWS_PER_WORKER and W == H
    assert F % _LANES == 0
    nv = F // _LANES

    mesh = plsc.VectorSubcoreMesh(
        core_axis_name="c", subcore_axis_name="s", num_cores=1, num_subcores=16
    )

    def body(
        row_hbm, col_hbm, out_hbm,
        col_v0, row_v0, col_v1, row_v1,
        cb_v0, rb_v0, cb_v1, rb_v1,
        sem_in, sem_out,
    ):
        sid = lax.axis_index("s")
        i0 = sid * _ROWS_PER_WORKER
        i1 = i0 + 1

        copies = [
            pltpu.async_copy(col_hbm.at[i0], col_v0, sem_in),
            pltpu.async_copy(row_hbm.at[i0], row_v0, sem_in),
            pltpu.async_copy(col_hbm.at[i1], col_v1, sem_in),
            pltpu.async_copy(row_hbm.at[i1], row_v1, sem_in),
        ]
        for c in copies:
            c.wait()

        def make_splat(src_v, dst_v):
            regs = [src_v[pl.ds(v * _LANES, _LANES)] for v in range(nv)]

            def splat(j, _):
                for v in range(nv):
                    dst_v[j, pl.ds(v * _LANES, _LANES)] = regs[v]
                return _

            return splat

        writes = []
        for src_v, bc_v, dst in (
            (col_v0, cb_v0, out_hbm.at[0, :, i0, pl.ds(0, F)]),
            (row_v0, rb_v0, out_hbm.at[0, i0, :, pl.ds(F, F)]),
            (col_v1, cb_v1, out_hbm.at[0, :, i1, pl.ds(0, F)]),
            (row_v1, rb_v1, out_hbm.at[0, i1, :, pl.ds(F, F)]),
        ):
            lax.fori_loop(0, H, make_splat(src_v, bc_v), 0)
            writes.append(pltpu.async_copy(bc_v, dst, sem_out))
        for w in writes:
            w.wait()

    return pl.kernel(
        body,
        out_type=jax.ShapeDtypeStruct((1, H, W, 2 * F), jnp.float32),
        mesh=mesh,
        scratch_types=[
            pltpu.VMEM((F,), jnp.float32),
            pltpu.VMEM((F,), jnp.float32),
            pltpu.VMEM((F,), jnp.float32),
            pltpu.VMEM((F,), jnp.float32),
            pltpu.VMEM((H, F), jnp.float32),
            pltpu.VMEM((W, F), jnp.float32),
            pltpu.VMEM((H, F), jnp.float32),
            pltpu.VMEM((W, F), jnp.float32),
            pltpu.SemaphoreType.DMA,
            pltpu.SemaphoreType.DMA,
        ],
    )


def kernel(inputs, row_embed, col_embed):
    H = inputs.shape[1]
    W = inputs.shape[2]
    F = row_embed.shape[-1]
    return _make_kernel(H, W, F)(row_embed, col_embed)

# --- scband reference (transcript-rebuilt; emitter-appended) ---
"""Pipeline reference for scband-position-embedding-learned-9672266351257 (READ-ONLY COPY).

The authoritative reference and input builder live on the scoring server;
editing this copy changes nothing except your own understanding.
"""

import jax, jax.numpy as jnp
import numpy as np

NUM_POS_FEATS = 256
B, H, W, C = 8, 32, 32, 768

def setup_inputs(seed: int = 0) -> dict:
    key = jax.random.key(seed)
    k1, k2, k3 = jax.random.split(key, 3)
    inputs = jax.random.normal(k1, (B, H, W, C), dtype=jnp.float32)
    # glorot_uniform-style init for learned embeddings
    lim_r = float(np.sqrt(6.0 / (H + NUM_POS_FEATS)))
    lim_c = float(np.sqrt(6.0 / (W + NUM_POS_FEATS)))
    row_embed = jax.random.uniform(k2, (H, NUM_POS_FEATS), minval=-lim_r, maxval=lim_r, dtype=jnp.float32)
    col_embed = jax.random.uniform(k3, (W, NUM_POS_FEATS), minval=-lim_c, maxval=lim_c, dtype=jnp.float32)
    return {"inputs": inputs, "row_embed": row_embed, "col_embed": col_embed}

def reference(inputs, row_embed, col_embed):
    # inputs: [B, H, W, C] (channels_last); only its spatial shape is used.
    h = inputs.shape[1]
    w = inputs.shape[2]
    f = row_embed.shape[-1]
    # tf.stack([col_embed] * height, 0) -> [H, W, F]
    col_part = jnp.broadcast_to(col_embed[None, :, :], (h, w, f))
    # tf.stack([row_embed] * width, 1) -> [H, W, F]
    row_part = jnp.broadcast_to(row_embed[:, None, :], (h, w, f))
    pos = jnp.concatenate([col_part, row_part], axis=-1)  # [H, W, 2F]
    pos = jnp.expand_dims(pos, 0)  # [1, H, W, 2F]
    return pos

if __name__ == "__main__":
    import jax
    _d = setup_inputs()
    print(jax.jit(kernel)(*tuple(_d.values())))

</pallas_src>

<mosaic_0001>
#map = affine_map<(d0, d1) -> (0, 0)>
#map1 = affine_map<(d0, d1) -> (0, 0, 0, 0)>
module attributes {stable_mosaic.version = 14 : i64} {
  func.func @body(%arg0: i32, %arg1: i32, %arg2: memref<32x256xf32, #tpu.memory_space<hbm>>, %arg3: memref<32x256xf32, #tpu.memory_space<hbm>>, %arg4: memref<1x32x32x512xf32, #tpu.memory_space<hbm>>, %arg5: memref<256xf32, #tpu.memory_space<vmem>>, %arg6: memref<256xf32, #tpu.memory_space<vmem>>, %arg7: memref<256xf32, #tpu.memory_space<vmem>>, %arg8: memref<256xf32, #tpu.memory_space<vmem>>, %arg9: memref<32x256xf32, #tpu.memory_space<vmem>>, %arg10: memref<32x256xf32, #tpu.memory_space<vmem>>, %arg11: memref<32x256xf32, #tpu.memory_space<vmem>>, %arg12: memref<32x256xf32, #tpu.memory_space<vmem>>, %arg13: memref<!tpu.dma_semaphore, #tpu.memory_space<semaphore_mem>>, %arg14: memref<!tpu.dma_semaphore, #tpu.memory_space<semaphore_mem>>) attributes {dimension_semantics = [#tpu.dimension_semantics<core_parallel>, #tpu.dimension_semantics<subcore_parallel>], iteration_bounds = array<i64: 1, 16>, scalar_prefetch = 0 : i64, scratch_operands = 10 : i64, tpu.core_type = #tpu.core_type<sc_vector_subcore>, window_params = [{transform_indices = #map}, {transform_indices = #map}, {transform_indices = #map1}]} {
    %mul3A = arith.constant 2 : i32
    %mul3A_0 = arith.muli %arg1, %mul3A : i32
    %add3A = arith.constant 1 : i32
    %add3A_1 = arith.addi %mul3A_0, %add3A : i32
    %dma_start3A = arith.constant 0 : i32
    %dma_start3A_2 = tpu.memref_slice %arg3[%mul3A_0, %dma_start3A] : memref<32x256xf32, #tpu.memory_space<hbm>> -> memref<1x256xf32, #tpu.memory_space<hbm>>
    %dma_start3A_3 = tpu.memref_squeeze %dma_start3A_2 : memref<1x256xf32, #tpu.memory_space<hbm>> -> memref<256xf32, #tpu.memory_space<hbm>>
    %dma_start3A_4 = arith.constant 0 : i32
    %dma_start3A_5 = tpu.memref_slice %arg3[%mul3A_0, %dma_start3A_4] : memref<32x256xf32, #tpu.memory_space<hbm>> -> memref<1x256xf32, #tpu.memory_space<hbm>>
    %dma_start3A_6 = tpu.memref_squeeze %dma_start3A_5 : memref<1x256xf32, #tpu.memory_space<hbm>> -> memref<256xf32, #tpu.memory_space<hbm>>
    tpu.enqueue_dma source(%dma_start3A_6 : memref<256xf32, #tpu.memory_space<hbm>>) target(%arg5 : memref<256xf32, #tpu.memory_space<vmem>>) target_semaphore(%arg13 : memref<!tpu.dma_semaphore, #tpu.memory_space<semaphore_mem>>)
    %dma_start3A_7 = arith.constant 0 : i32
    %dma_start3A_8 = tpu.memref_slice %arg2[%mul3A_0, %dma_start3A_7] : memref<32x256xf32, #tpu.memory_space<hbm>> -> memref<1x256xf32, #tpu.memory_space<hbm>>
    %dma_start3A_9 = tpu.memref_squeeze %dma_start3A_8 : memref<1x256xf32, #tpu.memory_space<hbm>> -> memref<256xf32, #tpu.memory_space<hbm>>
    %dma_start3A_10 = arith.constant 0 : i32
    %dma_start3A_11 = tpu.memref_slice %arg2[%mul3A_0, %dma_start3A_10] : memref<32x256xf32, #tpu.memory_space<hbm>> -> memref<1x256xf32, #tpu.memory_space<hbm>>
    %dma_start3A_12 = tpu.memref_squeeze %dma_start3A_11 : memref<1x256xf32, #tpu.memory_space<hbm>> -> memref<256xf32, #tpu.memory_space<hbm>>
    tpu.enqueue_dma source(%dma_start3A_12 : memref<256xf32, #tpu.memory_space<hbm>>) target(%arg6 : memref<256xf32, #tpu.memory_space<vmem>>) target_semaphore(%arg13 : memref<!tpu.dma_semaphore, #tpu.memory_space<semaphore_mem>>)
    %dma_start3A_13 = arith.constant 0 : i32
    %dma_start3A_14 = tpu.memref_slice %arg3[%add3A_1, %dma_start3A_13] : memref<32x256xf32, #tpu.memory_space<hbm>> -> memref<1x256xf32, #tpu.memory_space<hbm>>
    %dma_start3A_15 = tpu.memref_squeeze %dma_start3A_14 : memref<1x256xf32, #tpu.memory_space<hbm>> -> memref<256xf32, #tpu.memory_space<hbm>>
    %dma_start3A_16 = arith.constant 0 : i32
    %dma_start3A_17 = tpu.memref_slice %arg3[%add3A_1, %dma_start3A_16] : memref<32x256xf32, #tpu.memory_space<hbm>> -> memref<1x256xf32, #tpu.memory_space<hbm>>
    %dma_start3A_18 = tpu.memref_squeeze %dma_start3A_17 : memref<1x256xf32, #tpu.memory_space<hbm>> -> memref<256xf32, #tpu.memory_space<hbm>>
    tpu.enqueue_dma source(%dma_start3A_18 : memref<256xf32, #tpu.memory_space<hbm>>) target(%arg7 : memref<256xf32, #tpu.memory_space<vmem>>) target_semaphore(%arg13 : memref<!tpu.dma_semaphore, #tpu.memory_space<semaphore_mem>>)
    %dma_start3A_19 = arith.constant 0 : i32
    %dma_start3A_20 = tpu.memref_slice %arg2[%add3A_1, %dma_start3A_19] : memref<32x256xf32, #tpu.memory_space<hbm>> -> memref<1x256xf32, #tpu.memory_space<hbm>>
    %dma_start3A_21 = tpu.memref_squeeze %dma_start3A_20 : memref<1x256xf32, #tpu.memory_space<hbm>> -> memref<256xf32, #tpu.memory_space<hbm>>
    %dma_start3A_22 = arith.constant 0 : i32
    %dma_start3A_23 = tpu.memref_slice %arg2[%add3A_1, %dma_start3A_22] : memref<32x256xf32, #tpu.memory_space<hbm>> -> memref<1x256xf32, #tpu.memory_space<hbm>>
    %dma_start3A_24 = tpu.memref_squeeze %dma_start3A_23 : memref<1x256xf32, #tpu.memory_space<hbm>> -> memref<256xf32, #tpu.memory_space<hbm>>
    tpu.enqueue_dma source(%dma_start3A_24 : memref<256xf32, #tpu.memory_space<hbm>>) target(%arg8 : memref<256xf32, #tpu.memory_space<vmem>>) target_semaphore(%arg13 : memref<!tpu.dma_semaphore, #tpu.memory_space<semaphore_mem>>)
    %dma_wait3A = arith.constant 0 : i32
    %dma_wait3A_25 = tpu.memref_slice %arg3[%mul3A_0, %dma_wait3A] : memref<32x256xf32, #tpu.memory_space<hbm>> -> memref<1x256xf32, #tpu.memory_space<hbm>>
    %dma_wait3A_26 = tpu.memref_squeeze %dma_wait3A_25 : memref<1x256xf32, #tpu.memory_space<hbm>> -> memref<256xf32, #tpu.memory_space<hbm>>
    %dma_wait3A_27 = arith.constant 0 : i32
    %dma_wait3A_28 = tpu.memref_slice %arg3[%mul3A_0, %dma_wait3A_27] : memref<32x256xf32, #tpu.memory_space<hbm>> -> memref<1x256xf32, #tpu.memory_space<hbm>>
    %dma_wait3A_29 = tpu.memref_squeeze %dma_wait3A_28 : memref<1x256xf32, #tpu.memory_space<hbm>> -> memref<256xf32, #tpu.memory_space<hbm>>
    tpu.wait_dma2 semaphore(%arg13 : memref<!tpu.dma_semaphore, #tpu.memory_space<semaphore_mem>>) src(%dma_wait3A_29 : memref<256xf32, #tpu.memory_space<hbm>>) dst(%arg5 : memref<256xf32, #tpu.memory_space<vmem>>)
    %dma_wait3A_30 = arith.constant 0 : i32
    %dma_wait3A_31 = tpu.memref_slice %arg2[%mul3A_0, %dma_wait3A_30] : memref<32x256xf32, #tpu.memory_space<hbm>> -> memref<1x256xf32, #tpu.memory_space<hbm>>
    %dma_wait3A_32 = tpu.memref_squeeze %dma_wait3A_31 : memref<1x256xf32, #tpu.memory_space<hbm>> -> memref<256xf32, #tpu.memory_space<hbm>>
    %dma_wait3A_33 = arith.constant 0 : i32
    %dma_wait3A_34 = tpu.memref_slice %arg2[%mul3A_0, %dma_wait3A_33] : memref<32x256xf32, #tpu.memory_space<hbm>> -> memref<1x256xf32, #tpu.memory_space<hbm>>
    %dma_wait3A_35 = tpu.memref_squeeze %dma_wait3A_34 : memref<1x256xf32, #tpu.memory_space<hbm>> -> memref<256xf32, #tpu.memory_space<hbm>>
    tpu.wait_dma2 semaphore(%arg13 : memref<!tpu.dma_semaphore, #tpu.memory_space<semaphore_mem>>) src(%dma_wait3A_35 : memref<256xf32, #tpu.memory_space<hbm>>) dst(%arg6 : memref<256xf32, #tpu.memory_space<vmem>>)
    %dma_wait3A_36 = arith.constant 0 : i32
    %dma_wait3A_37 = tpu.memref_slice %arg3[%add3A_1, %dma_wait3A_36] : memref<32x256xf32, #tpu.memory_space<hbm>> -> memref<1x256xf32, #tpu.memory_space<hbm>>
    %dma_wait3A_38 = tpu.memref_squeeze %dma_wait3A_37 : memref<1x256xf32, #tpu.memory_space<hbm>> -> memref<256xf32, #tpu.memory_space<hbm>>
    %dma_wait3A_39 = arith.constant 0 : i32
    %dma_wait3A_40 = tpu.memref_slice %arg3[%add3A_1, %dma_wait3A_39] : memref<32x256xf32, #tpu.memory_space<hbm>> -> memref<1x256xf32, #tpu.memory_space<hbm>>
    %dma_wait3A_41 = tpu.memref_squeeze %dma_wait3A_40 : memref<1x256xf32, #tpu.memory_space<hbm>> -> memref<256xf32, #tpu.memory_space<hbm>>
    tpu.wait_dma2 semaphore(%arg13 : memref<!tpu.dma_semaphore, #tpu.memory_space<semaphore_mem>>) src(%dma_wait3A_41 : memref<256xf32, #tpu.memory_space<hbm>>) dst(%arg7 : memref<256xf32, #tpu.memory_space<vmem>>)
    %dma_wait3A_42 = arith.constant 0 : i32
    %dma_wait3A_43 = tpu.memref_slice %arg2[%add3A_1, %dma_wait3A_42] : memref<32x256xf32, #tpu.memory_space<hbm>> -> memref<1x256xf32, #tpu.memory_space<hbm>>
    %dma_wait3A_44 = tpu.memref_squeeze %dma_wait3A_43 : memref<1x256xf32, #tpu.memory_space<hbm>> -> memref<256xf32, #tpu.memory_space<hbm>>
    %dma_wait3A_45 = arith.constant 0 : i32
    %dma_wait3A_46 = tpu.memref_slice %arg2[%add3A_1, %dma_wait3A_45] : memref<32x256xf32, #tpu.memory_space<hbm>> -> memref<1x256xf32, #tpu.memory_space<hbm>>
    %dma_wait3A_47 = tpu.memref_squeeze %dma_wait3A_46 : memref<1x256xf32, #tpu.memory_space<hbm>> -> memref<256xf32, #tpu.memory_space<hbm>>
    tpu.wait_dma2 semaphore(%arg13 : memref<!tpu.dma_semaphore, #tpu.memory_space<semaphore_mem>>) src(%dma_wait3A_47 : memref<256xf32, #tpu.memory_space<hbm>>) dst(%arg8 : memref<256xf32, #tpu.memory_space<vmem>>)
    %get3A = arith.constant 0 : index
    %get3A_48 = tpu.vector_load %arg5[%get3A] {strides = array<i32>} : memref<256xf32, #tpu.memory_space<vmem>>, vector<16xf32>,
    %get3A_49 = vector.shape_cast %get3A_48 : vector<16xf32> to vector<16xf32>
    %get3A_50 = arith.constant 16 : index
    %get3A_51 = tpu.vector_load %arg5[%get3A_50] {strides = array<i32>} : memref<256xf32, #tpu.memory_space<vmem>>, vector<16xf32>,
    %get3A_52 = vector.shape_cast %get3A_51 : vector<16xf32> to vector<16xf32>
    %get3A_53 = arith.constant 32 : index
    %get3A_54 = tpu.vector_load %arg5[%get3A_53] {strides = array<i32>} : memref<256xf32, #tpu.memory_space<vmem>>, vector<16xf32>,
    %get3A_55 = vector.shape_cast %get3A_54 : vector<16xf32> to vector<16xf32>
    %get3A_56 = arith.constant 48 : index
    %get3A_57 = tpu.vector_load %arg5[%get3A_56] {strides = array<i32>} : memref<256xf32, #tpu.memory_space<vmem>>, vector<16xf32>,
    %get3A_58 = vector.shape_cast %get3A_57 : vector<16xf32> to vector<16xf32>
    %get3A_59 = arith.constant 64 : index
    %get3A_60 = tpu.vector_load %arg5[%get3A_59] {strides = array<i32>} : memref<256xf32, #tpu.memory_space<vmem>>, vector<16xf32>,
    %get3A_61 = vector.shape_cast %get3A_60 : vector<16xf32> to vector<16xf32>
    %get3A_62 = arith.constant 80 : index
    %get3A_63 = tpu.vector_load %arg5[%get3A_62] {strides = array<i32>} : memref<256xf32, #tpu.memory_space<vmem>>, vector<16xf32>,
    %get3A_64 = vector.shape_cast %get3A_63 : vector<16xf32> to vector<16xf32>
    %get3A_65 = arith.constant 96 : index
    %get3A_66 = tpu.vector_load %arg5[%get3A_65] {strides = array<i32>} : memref<256xf32, #tpu.memory_space<vmem>>, vector<16xf32>,
    %get3A_67 = vector.shape_cast %get3A_66 : vector<16xf32> to vector<16xf32>
    %get3A_68 = arith.constant 112 : index
    %get3A_69 = tpu.vector_load %arg5[%get3A_68] {strides = array<i32>} : memref<256xf32, #tpu.memory_space<vmem>>, vector<16xf32>,
    %get3A_70 = vector.shape_cast %get3A_69 : vector<16xf32> to vector<16xf32>
    %get3A_71 = arith.constant 128 : index
    %get3A_72 = tpu.vector_load %arg5[%get3A_71] {strides = array<i32>} : memref<256xf32, #tpu.memory_space<vmem>>, vector<16xf32>,
    %get3A_73 = vector.shape_cast %get3A_72 : vector<16xf32> to vector<16xf32>
    %get3A_74 = arith.constant 144 : index
    %get3A_75 = tpu.vector_load %arg5[%get3A_74] {strides = array<i32>} : memref<256xf32, #tpu.memory_space<vmem>>, vector<16xf32>,
    %get3A_76 = vector.shape_cast %get3A_75 : vector<16xf32> to vector<16xf32>
    %get3A_77 = arith.constant 160 : index
    %get3A_78 = tpu.vector_load %arg5[%get3A_77] {strides = array<i32>} : memref<256xf32, #tpu.memory_space<vmem>>, vector<16xf32>,
    %get3A_79 = vector.shape_cast %get3A_78 : vector<16xf32> to vector<16xf32>
    %get3A_80 = arith.constant 176 : index
    %get3A_81 = tpu.vector_load %arg5[%get3A_80] {strides = array<i32>} : memref<256xf32, #tpu.memory_space<vmem>>, vector<16xf32>,
    %get3A_82 = vector.shape_cast %get3A_81 : vector<16xf32> to vector<16xf32>
    %get3A_83 = arith.constant 192 : index
    %get3A_84 = tpu.vector_load %arg5[%get3A_83] {strides = array<i32>} : memref<256xf32, #tpu.memory_space<vmem>>, vector<16xf32>,
    %get3A_85 = vector.shape_cast %get3A_84 : vector<16xf32> to vector<16xf32>
    %get3A_86 = arith.constant 208 : index
    %get3A_87 = tpu.vector_load %arg5[%get3A_86] {strides = array<i32>} : memref<256xf32, #tpu.memory_space<vmem>>, vector<16xf32>,
    %get3A_88 = vector.shape_cast %get3A_87 : vector<16xf32> to vector<16xf32>
    %get3A_89 = arith.constant 224 : index
    %get3A_90 = tpu.vector_load %arg5[%get3A_89] {strides = array<i32>} : memref<256xf32, #tpu.memory_space<vmem>>, vector<16xf32>,
    %get3A_91 = vector.shape_cast %get3A_90 : vector<16xf32> to vector<16xf32>
    %get3A_92 = arith.constant 240 : index
    %get3A_93 = tpu.vector_load %arg5[%get3A_92] {strides = array<i32>} : memref<256xf32, #tpu.memory_space<vmem>>, vector<16xf32>,
    %get3A_94 = vector.shape_cast %get3A_93 : vector<16xf32> to vector<16xf32>
    %scan3A = arith.constant 0 : i32
    %scan3A_95 = arith.constant 0 : i32
    %scan3A_96 = arith.constant 32 : i32
    %scan3A_97 = arith.addi %scan3A_95, %scan3A_96 : i32
    %scan3A_98 = arith.constant 1 : i32
    scf.for %scan3A_334 = %scan3A_95 to %scan3A_97 step %scan3A_98  : i32 {
      %swap3A = arith.index_cast %scan3A_334 : i32 to index
      %swap3A_335 = arith.constant 0 : index
      %swap3A_336 = tpu.vector_load %arg9[%swap3A, %swap3A_335] {strides = array<i32>} : memref<32x256xf32, #tpu.memory_space<vmem>>, vector<1x16xf32>,
      %swap3A_337 = vector.shape_cast %swap3A_336 : vector<1x16xf32> to vector<16xf32>
      %swap3A_338 = vector.shape_cast %get3A_49 : vector<16xf32> to vector<1x16xf32>
      tpu.vector_store %arg9[%swap3A, %swap3A_335], %swap3A_338 {strides = array<i32>} : memref<32x256xf32, #tpu.memory_space<vmem>>, vector<1x16xf32>,
      %swap3A_339 = arith.index_cast %scan3A_334 : i32 to index
      %swap3A_340 = arith.constant 16 : index
      %swap3A_341 = tpu.vector_load %arg9[%swap3A_339, %swap3A_340] {strides = array<i32>} : memref<32x256xf32, #tpu.memory_space<vmem>>, vector<1x16xf32>,
      %swap3A_342 = vector.shape_cast %swap3A_341 : vector<1x16xf32> to vector<16xf32>
      %swap3A_343 = vector.shape_cast %get3A_52 : vector<16xf32> to vector<1x16xf32>
      tpu.vector_store %arg9[%swap3A_339, %swap3A_340], %swap3A_343 {strides = array<i32>} : memref<32x256xf32, #tpu.memory_space<vmem>>, vector<1x16xf32>,
      %swap3A_344 = arith.index_cast %scan3A_334 : i32 to index
      %swap3A_345 = arith.constant 32 : index
      %swap3A_346 = tpu.vector_load %arg9[%swap3A_344, %swap3A_345] {strides = array<i32>} : memref<32x256xf32, #tpu.memory_space<vmem>>, vector<1x16xf32>,
      %swap3A_347 = vector.shape_cast %swap3A_346 : vector<1x16xf32> to vector<16xf32>
      %swap3A_348 = vector.shape_cast %get3A_55 : vector<16xf32> to vector<1x16xf32>
      tpu.vector_store %arg9[%swap3A_344, %swap3A_345], %swap3A_348 {strides = array<i32>} : memref<32x256xf32, #tpu.memory_space<vmem>>, vector<1x16xf32>,
      %swap3A_349 = arith.index_cast %scan3A_334 : i32 to index
      %swap3A_350 = arith.constant 48 : index
      %swap3A_351 = tpu.vector_load %arg9[%swap3A_349, %swap3A_350] {strides = array<i32>} : memref<32x256xf32, #tpu.memory_space<vmem>>, vector<1x16xf32>,
      %swap3A_352 = vector.shape_cast %swap3A_351 : vector<1x16xf32> to vector<16xf32>
      %swap3A_353 = vector.shape_cast %get3A_58 : vector<16xf32> to vector<1x16xf32>
      tpu.vector_store %arg9[%swap3A_349, %swap3A_350], %swap3A_353 {strides = array<i32>} : memref<32x256xf32, #tpu.memory_space<vmem>>, vector<1x16xf32>,
      %swap3A_354 = arith.index_cast %scan3A_334 : i32 to index
      %swap3A_355 = arith.constant 64 : index
      %swap3A_356 = tpu.vector_load %arg9[%swap3A_354, %swap3A_355] {strides = array<i32>} : memref<32x256xf32, #tpu.memory_space<vmem>>, vector<1x16xf32>,
      %swap3A_357 = vector.shape_cast %swap3A_356 : vector<1x16xf32> to vector<16xf32>
      %swap3A_358 = vector.shape_cast %get3A_61 : vector<16xf32> to vector<1x16xf32>
      tpu.vector_store %arg9[%swap3A_354, %swap3A_355], %swap3A_358 {strides = array<i32>} : memref<32x256xf32, #tpu.memory_space<vmem>>, vector<1x16xf32>,
      %swap3A_359 = arith.index_cast %scan3A_334 : i32 to index
      %swap3A_360 = arith.constant 80 : index
      %swap3A_361 = tpu.vector_load %arg9[%swap3A_359, %swap3A_360] {strides = array<i32>} : memref<32x256xf32, #tpu.memory_space<vmem>>, vector<1x16xf32>,
      %swap3A_362 = vector.shape_cast %swap3A_361 : vector<1x16xf32> to vector<16xf32>
      %swap3A_363 = vector.shape_cast %get3A_64 : vector<16xf32> to vector<1x16xf32>
      tpu.vector_store %arg9[%swap3A_359, %swap3A_360], %swap3A_363 {strides = array<i32>} : memref<32x256xf32, #tpu.memory_space<vmem>>, vector<1x16xf32>,
      %swap3A_364 = arith.index_cast %scan3A_334 : i32 to index
      %swap3A_365 = arith.constant 96 : index
      %swap3A_366 = tpu.vector_load %arg9[%swap3A_364, %swap3A_365] {strides = array<i32>} : memref<32x256xf32, #tpu.memory_space<vmem>>, vector<1x16xf32>,
      %swap3A_367 = vector.shape_cast %swap3A_366 : vector<1x16xf32> to vector<16xf32>
      %swap3A_368 = vector.shape_cast %get3A_67 : vector<16xf32> to vector<1x16xf32>
      tpu.vector_store %arg9[%swap3A_364, %swap3A_365], %swap3A_368 {strides = array<i32>} : memref<32x256xf32, #tpu.memory_space<vmem>>, vector<1x16xf32>,
      %swap3A_369 = arith.index_cast %scan3A_334 : i32 to index
      %swap3A_370 = arith.constant 112 : index
      %swap3A_371 = tpu.vector_load %arg9[%swap3A_369, %swap3A_370] {strides = array<i32>} : memref<32x256xf32, #tpu.memory_space<vmem>>, vector<1x16xf32>,
      %swap3A_372 = vector.shape_cast %swap3A_371 : vector<1x16xf32> to vector<16xf32>
      %swap3A_373 = vector.shape_cast %get3A_70 : vector<16xf32> to vector<1x16xf32>
      tpu.vector_store %arg9[%swap3A_369, %swap3A_370], %swap3A_373 {strides = array<i32>} : memref<32x256xf32, #tpu.memory_space<vmem>>, vector<1x16xf32>,
      %swap3A_374 = arith.index_cast %scan3A_334 : i32 to index
      %swap3A_375 = arith.constant 128 : index
      %swap3A_376 = tpu.vector_load %arg9[%swap3A_374, %swap3A_375] {strides = array<i32>} : memref<32x256xf32, #tpu.memory_space<vmem>>, vector<1x16xf32>,
      %swap3A_377 = vector.shape_cast %swap3A_376 : vector<1x16xf32> to vector<16xf32>
      %swap3A_378 = vector.shape_cast %get3A_73 : vector<16xf32> to vector<1x16xf32>
      tpu.vector_store %arg9[%swap3A_374, %swap3A_375], %swap3A_378 {strides = array<i32>} : memref<32x256xf32, #tpu.memory_space<vmem>>, vector<1x16xf32>,
      %swap3A_379 = arith.index_cast %scan3A_334 : i32 to index
      %swap3A_380 = arith.constant 144 : index
      %swap3A_381 = tpu.vector_load %arg9[%swap3A_379, %swap3A_380] {strides = array<i32>} : memref<32x256xf32, #tpu.memory_space<vmem>>, vector<1x16xf32>,
      %swap3A_382 = vector.shape_cast %swap3A_381 : vector<1x16xf32> to vector<16xf32>
      %swap3A_383 = vector.shape_cast %get3A_76 : vector<16xf32> to vector<1x16xf32>
      tpu.vector_store %arg9[%swap3A_379, %swap3A_380], %swap3A_383 {strides = array<i32>} : memref<32x256xf32, #tpu.memory_space<vmem>>, vector<1x16xf32>,
      %swap3A_384 = arith.index_cast %scan3A_334 : i32 to index
      %swap3A_385 = arith.constant 160 : index
      %swap3A_386 = tpu.vector_load %arg9[%swap3A_384, %swap3A_385] {strides = array<i32>} : memref<32x256xf32, #tpu.memory_space<vmem>>, vector<1x16xf32>,
      %swap3A_387 = vector.shape_cast %swap3A_386 : vector<1x16xf32> to vector<16xf32>
      %swap3A_388 = vector.shape_cast %get3A_79 : vector<16xf32> to vector<1x16xf32>
      tpu.vector_store %arg9[%swap3A_384, %swap3A_385], %swap3A_388 {strides = array<i32>} : memref<32x256xf32, #tpu.memory_space<vmem>>, vector<1x16xf32>,
      %swap3A_389 = arith.index_cast %scan3A_334 : i32 to index
      %swap3A_390 = arith.constant 176 : index
      %swap3A_391 = tpu.vector_load %arg9[%swap3A_389, %swap3A_390] {strides = array<i32>} : memref<32x256xf32, #tpu.memory_space<vmem>>, vector<1x16xf32>,
      %swap3A_392 = vector.shape_cast %swap3A_391 : vector<1x16xf32> to vector<16xf32>
      %swap3A_393 = vector.shape_cast %get3A_82 : vector<16xf32> to vector<1x16xf32>
      tpu.vector_store %arg9[%swap3A_389, %swap3A_390], %swap3A_393 {strides = array<i32>} : memref<32x256xf32, #tpu.memory_space<vmem>>, vector<1x16xf32>,
      %swap3A_394 = arith.index_cast %scan3A_334 : i32 to index
      %swap3A_395 = arith.constant 192 : index
      %swap3A_396 = tpu.vector_load %arg9[%swap3A_394, %swap3A_395] {strides = array<i32>} : memref<32x256xf32, #tpu.memory_space<vmem>>, vector<1x16xf32>,
      %swap3A_397 = vector.shape_cast %swap3A_396 : vector<1x16xf32> to vector<16xf32>
      %swap3A_398 = vector.shape_cast %get3A_85 : vector<16xf32> to vector<1x16xf32>
      tpu.vector_store %arg9[%swap3A_394, %swap3A_395], %swap3A_398 {strides = array<i32>} : memref<32x256xf32, #tpu.memory_space<vmem>>, vector<1x16xf32>,
      %swap3A_399 = arith.index_cast %scan3A_334 : i32 to index
      %swap3A_400 = arith.constant 208 : index
      %swap3A_401 = tpu.vector_load %arg9[%swap3A_399, %swap3A_400] {strides = array<i32>} : memref<32x256xf32, #tpu.memory_space<vmem>>, vector<1x16xf32>,
      %swap3A_402 = vector.shape_cast %swap3A_401 : vector<1x16xf32> to vector<16xf32>
      %swap3A_403 = vector.shape_cast %get3A_88 : vector<16xf32> to vector<1x16xf32>
      tpu.vector_store %arg9[%swap3A_399, %swap3A_400], %swap3A_403 {strides = array<i32>} : memref<32x256xf32, #tpu.memory_space<vmem>>, vector<1x16xf32>,
      %swap3A_404 = arith.index_cast %scan3A_334 : i32 to index
      %swap3A_405 = arith.constant 224 : index
      %swap3A_406 = tpu.vector_load %arg9[%swap3A_404, %swap3A_405] {strides = array<i32>} : memref<32x256xf32, #tpu.memory_space<vmem>>, vector<1x16xf32>,
      %swap3A_407 = vector.shape_cast %swap3A_406 : vector<1x16xf32> to vector<16xf32>
      %swap3A_408 = vector.shape_cast %get3A_91 : vector<16xf32> to vector<1x16xf32>
      tpu.vector_store %arg9[%swap3A_404, %swap3A_405], %swap3A_408 {strides = array<i32>} : memref<32x256xf32, #tpu.memory_space<vmem>>, vector<1x16xf32>,
      %swap3A_409 = arith.index_cast %scan3A_334 : i32 to index
      %swap3A_410 = arith.constant 240 : index
      %swap3A_411 = tpu.vector_load %arg9[%swap3A_409, %swap3A_410] {strides = array<i32>} : memref<32x256xf32, #tpu.memory_space<vmem>>, vector<1x16xf32>,
      %swap3A_412 = vector.shape_cast %swap3A_411 : vector<1x16xf32> to vector<16xf32>
      %swap3A_413 = vector.shape_cast %get3A_94 : vector<16xf32> to vector<1x16xf32>
      tpu.vector_store %arg9[%swap3A_409, %swap3A_410], %swap3A_413 {strides = array<i32>} : memref<32x256xf32, #tpu.memory_space<vmem>>, vector<1x16xf32>,
    }
    %scan3A_99 = arith.constant 32 : i32
    %dma_start3A_100 = arith.constant 0 : i32
    %dma_start3A_101 = arith.constant 0 : i32
    %dma_start3A_102 = arith.constant 0 : i32
    %dma_start3A_103 = tpu.memref_slice %arg4[%dma_start3A_100, %dma_start3A_101, %mul3A_0, %dma_start3A_102] : memref<1x32x32x512xf32, #tpu.memory_space<hbm>> -> memref<1x32x1x256xf32, #tpu.memory_space<hbm>>
    %dma_start3A_104 = tpu.memref_squeeze %dma_start3A_103 : memref<1x32x1x256xf32, #tpu.memory_space<hbm>> -> memref<32x256xf32, #tpu.memory_space<hbm>>
    %dma_start3A_105 = arith.constant 0 : i32
    %dma_start3A_106 = arith.constant 0 : i32
    %dma_start3A_107 = tpu.memref_slice %arg4[%dma_start3A_100, %dma_start3A_105, %mul3A_0, %dma_start3A_106] : memref<1x32x32x512xf32, #tpu.memory_space<hbm>> -> memref<1x32x1x256xf32, #tpu.memory_space<hbm>>
    %dma_start3A_108 = tpu.memref_squeeze %dma_start3A_107 : memref<1x32x1x256xf32, #tpu.memory_space<hbm>> -> memref<32x256xf32, #tpu.memory_space<hbm>>
    tpu.enqueue_dma source(%arg9 : memref<32x256xf32, #tpu.memory_space<vmem>>) target(%dma_start3A_108 : memref<32x256xf32, #tpu.memory_space<hbm>>) target_semaphore(%arg14 : memref<!tpu.dma_semaphore, #tpu.memory_space<semaphore_mem>>)
    %get3A_109 = arith.constant 0 : index
    %get3A_110 = tpu.vector_load %arg6[%get3A_109] {strides = array<i32>} : memref<256xf32, #tpu.memory_space<vmem>>, vector<16xf32>,
    %get3A_111 = vector.shape_cast %get3A_110 : vector<16xf32> to vector<16xf32>
    %get3A_112 = arith.constant 16 : index
    %get3A_113 = tpu.vector_load %arg6[%get3A_112] {strides = array<i32>} : memref<256xf32, #tpu.memory_space<vmem>>, vector<16xf32>,
    %get3A_114 = vector.shape_cast %get3A_113 : vector<16xf32> to vector<16xf32>
    %get3A_115 = arith.constant 32 : index
    %get3A_116 = tpu.vector_load %arg6[%get3A_115] {strides = array<i32>} : memref<256xf32, #tpu.memory_space<vmem>>, vector<16xf32>,
    %get3A_117 = vector.shape_cast %get3A_116 : vector<16xf32> to vector<16xf32>
    %get3A_118 = arith.constant 48 : index
    %get3A_119 = tpu.vector_load %arg6[%get3A_118] {strides = array<i32>} : memref<256xf32, #tpu.memory_space<vmem>>, vector<16xf32>,
    %get3A_120 = vector.shape_cast %get3A_119 : vector<16xf32> to vector<16xf32>
    %get3A_121 = arith.constant 64 : index
    %get3A_122 = tpu.vector_load %arg6[%get3A_121] {strides = array<i32>} : memref<256xf32, #tpu.memory_space<vmem>>, vector<16xf32>,
    %get3A_123 = vector.shape_cast %get3A_122 : vector<16xf32> to vector<16xf32>
    %get3A_124 = arith.constant 80 : index
    %get3A_125 = tpu.vector_load %arg6[%get3A_124] {strides = array<i32>} : memref<256xf32, #tpu.memory_space<vmem>>, vector<16xf32>,
    %get3A_126 = vector.shape_cast %get3A_125 : vector<16xf32> to vector<16xf32>
    %get3A_127 = arith.constant 96 : index
    %get3A_128 = tpu.vector_load %arg6[%get3A_127] {strides = array<i32>} : memref<256xf32, #tpu.memory_space<vmem>>, vector<16xf32>,
    %get3A_129 = vector.shape_cast %get3A_128 : vector<16xf32> to vector<16xf32>
    %get3A_130 = arith.constant 112 : index
    %get3A_131 = tpu.vector_load %arg6[%get3A_130] {strides = array<i32>} : memref<256xf32, #tpu.memory_space<vmem>>, vector<16xf32>,
    %get3A_132 = vector.shape_cast %get3A_131 : vector<16xf32> to vector<16xf32>
    %get3A_133 = arith.constant 128 : index
    %get3A_134 = tpu.vector_load %arg6[%get3A_133] {strides = array<i32>} : memref<256xf32, #tpu.memory_space<vmem>>, vector<16xf32>,
    %get3A_135 = vector.shape_cast %get3A_134 : vector<16xf32> to vector<16xf32>
    %get3A_136 = arith.constant 144 : index
    %get3A_137 = tpu.vector_load %arg6[%get3A_136] {strides = array<i32>} : memref<256xf32, #tpu.memory_space<vmem>>, vector<16xf32>,
    %get3A_138 = vector.shape_cast %get3A_137 : vector<16xf32> to vector<16xf32>
    %get3A_139 = arith.constant 160 : index
    %get3A_140 = tpu.vector_load %arg6[%get3A_139] {strides = array<i32>} : memref<256xf32, #tpu.memory_space<vmem>>, vector<16xf32>,
    %get3A_141 = vector.shape_cast %get3A_140 : vector<16xf32> to vector<16xf32>
    %get3A_142 = arith.constant 176 : index
    %get3A_143 = tpu.vector_load %arg6[%get3A_142] {strides = array<i32>} : memref<256xf32, #tpu.memory_space<vmem>>, vector<16xf32>,
    %get3A_144 = vector.shape_cast %get3A_143 : vector<16xf32> to vector<16xf32>
    %get3A_145 = arith.constant 192 : index
    %get3A_146 = tpu.vector_load %arg6[%get3A_145] {strides = array<i32>} : memref<256xf32, #tpu.memory_space<vmem>>, vector<16xf32>,
    %get3A_147 = vector.shape_cast %get3A_146 : vector<16xf32> to vector<16xf32>
    %get3A_148 = arith.constant 208 : index
    %get3A_149 = tpu.vector_load %arg6[%get3A_148] {strides = array<i32>} : memref<256xf32, #tpu.memory_space<vmem>>, vector<16xf32>,
    %get3A_150 = vector.shape_cast %get3A_149 : vector<16xf32> to vector<16xf32>
    %get3A_151 = arith.constant 224 : index
    %get3A_152 = tpu.vector_load %arg6[%get3A_151] {strides = array<i32>} : memref<256xf32, #tpu.memory_space<vmem>>, vector<16xf32>,
    %get3A_153 = vector.shape_cast %get3A_152 : vector<16xf32> to vector<16xf32>
    %get3A_154 = arith.constant 240 : index
    %get3A_155 = tpu.vector_load %arg6[%get3A_154] {strides = array<i32>} : memref<256xf32, #tpu.memory_space<vmem>>, vector<16xf32>,
    %get3A_156 = vector.shape_cast %get3A_155 : vector<16xf32> to vector<16xf32>
    %scan3A_157 = arith.constant 0 : i32
    %scan3A_158 = arith.constant 0 : i32
    %scan3A_159 = arith.constant 32 : i32
    %scan3A_160 = arith.addi %scan3A_158, %scan3A_159 : i32
    %scan3A_161 = arith.constant 1 : i32
    scf.for %scan3A_334 = %scan3A_158 to %scan3A_160 step %scan3A_161  : i32 {
      %swap3A = arith.index_cast %scan3A_334 : i32 to index
      %swap3A_335 = arith.constant 0 : index
      %swap3A_336 = tpu.vector_load %arg10[%swap3A, %swap3A_335] {strides = array<i32>} : memref<32x256xf32, #tpu.memory_space<vmem>>, vector<1x16xf32>,
      %swap3A_337 = vector.shape_cast %swap3A_336 : vector<1x16xf32> to vector<16xf32>
      %swap3A_338 = vector.shape_cast %get3A_111 : vector<16xf32> to vector<1x16xf32>
      tpu.vector_store %arg10[%swap3A, %swap3A_335], %swap3A_338 {strides = array<i32>} : memref<32x256xf32, #tpu.memory_space<vmem>>, vector<1x16xf32>,
      %swap3A_339 = arith.index_cast %scan3A_334 : i32 to index
      %swap3A_340 = arith.constant 16 : index
      %swap3A_341 = tpu.vector_load %arg10[%swap3A_339, %swap3A_340] {strides = array<i32>} : memref<32x256xf32, #tpu.memory_space<vmem>>, vector<1x16xf32>,
      %swap3A_342 = vector.shape_cast %swap3A_341 : vector<1x16xf32> to vector<16xf32>
      %swap3A_343 = vector.shape_cast %get3A_114 : vector<16xf32> to vector<1x16xf32>
      tpu.vector_store %arg10[%swap3A_339, %swap3A_340], %swap3A_343 {strides = array<i32>} : memref<32x256xf32, #tpu.memory_space<vmem>>, vector<1x16xf32>,
      %swap3A_344 = arith.index_cast %scan3A_334 : i32 to index
      %swap3A_345 = arith.constant 32 : index
      %swap3A_346 = tpu.vector_load %arg10[%swap3A_344, %swap3A_345] {strides = array<i32>} : memref<32x256xf32, #tpu.memory_space<vmem>>, vector<1x16xf32>,
      %swap3A_347 = vector.shape_cast %swap3A_346 : vector<1x16xf32> to vector<16xf32>
      %swap3A_348 = vector.shape_cast %get3A_117 : vector<16xf32> to vector<1x16xf32>
      tpu.vector_store %arg10[%swap3A_344, %swap3A_345], %swap3A_348 {strides = array<i32>} : memref<32x256xf32, #tpu.memory_space<vmem>>, vector<1x16xf32>,
      %swap3A_349 = arith.index_cast %scan3A_334 : i32 to index
      %swap3A_350 = arith.constant 48 : index
      %swap3A_351 = tpu.vector_load %arg10[%swap3A_349, %swap3A_350] {strides = array<i32>} : memref<32x256xf32, #tpu.memory_space<vmem>>, vector<1x16xf32>,
      %swap3A_352 = vector.shape_cast %swap3A_351 : vector<1x16xf32> to vector<16xf32>
      %swap3A_353 = vector.shape_cast %get3A_120 : vector<16xf32> to vector<1x16xf32>
      tpu.vector_store %arg10[%swap3A_349, %swap3A_350], %swap3A_353 {strides = array<i32>} : memref<32x256xf32, #tpu.memory_space<vmem>>, vector<1x16xf32>,
      %swap3A_354 = arith.index_cast %scan3A_334 : i32 to index
      %swap3A_355 = arith.constant 64 : index
      %swap3A_356 = tpu.vector_load %arg10[%swap3A_354, %swap3A_355] {strides = array<i32>} : memref<32x256xf32, #tpu.memory_space<vmem>>, vector<1x16xf32>,
      %swap3A_357 = vector.shape_cast %swap3A_356 : vector<1x16xf32> to vector<16xf32>
      %swap3A_358 = vector.shape_cast %get3A_123 : vector<16xf32> to vector<1x16xf32>
      tpu.vector_store %arg10[%swap3A_354, %swap3A_355], %swap3A_358 {strides = array<i32>} : memref<32x256xf32, #tpu.memory_space<vmem>>, vector<1x16xf32>,
      %swap3A_359 = arith.index_cast %scan3A_334 : i32 to index
      %swap3A_360 = arith.constant 80 : index
      %swap3A_361 = tpu.vector_load %arg10[%swap3A_359, %swap3A_360] {strides = array<i32>} : memref<32x256xf32, #tpu.memory_space<vmem>>, vector<1x16xf32>,
      %swap3A_362 = vector.shape_cast %swap3A_361 : vector<1x16xf32> to vector<16xf32>
      %swap3A_363 = vector.shape_cast %get3A_126 : vector<16xf32> to vector<1x16xf32>
      tpu.vector_store %arg10[%swap3A_359, %swap3A_360], %swap3A_363 {strides = array<i32>} : memref<32x256xf32, #tpu.memory_space<vmem>>, vector<1x16xf32>,
      %swap3A_364 = arith.index_cast %scan3A_334 : i32 to index
      %swap3A_365 = arith.constant 96 : index
      %swap3A_366 = tpu.vector_load %arg10[%swap3A_364, %swap3A_365] {strides = array<i32>} : memref<32x256xf32, #tpu.memory_space<vmem>>, vector<1x16xf32>,
      %swap3A_367 = vector.shape_cast %swap3A_366 : vector<1x16xf32> to vector<16xf32>
      %swap3A_368 = vector.shape_cast %get3A_129 : vector<16xf32> to vector<1x16xf32>
      tpu.vector_store %arg10[%swap3A_364, %swap3A_365], %swap3A_368 {strides = array<i32>} : memref<32x256xf32, #tpu.memory_space<vmem>>, vector<1x16xf32>,
      %swap3A_369 = arith.index_cast %scan3A_334 : i32 to index
      %swap3A_370 = arith.constant 112 : index
      %swap3A_371 = tpu.vector_load %arg10[%swap3A_369, %swap3A_370] {strides = array<i32>} : memref<32x256xf32, #tpu.memory_space<vmem>>, vector<1x16xf32>,
      %swap3A_372 = vector.shape_cast %swap3A_371 : vector<1x16xf32> to vector<16xf32>
      %swap3A_373 = vector.shape_cast %get3A_132 : vector<16xf32> to vector<1x16xf32>
      tpu.vector_store %arg10[%swap3A_369, %swap3A_370], %swap3A_373 {strides = array<i32>} : memref<32x256xf32, #tpu.memory_space<vmem>>, vector<1x16xf32>,
      %swap3A_374 = arith.index_cast %scan3A_334 : i32 to index
      %swap3A_375 = arith.constant 128 : index
      %swap3A_376 = tpu.vector_load %arg10[%swap3A_374, %swap3A_375] {strides = array<i32>} : memref<32x256xf32, #tpu.memory_space<vmem>>, vector<1x16xf32>,
      %swap3A_377 = vector.shape_cast %swap3A_376 : vector<1x16xf32> to vector<16xf32>
      %swap3A_378 = vector.shape_cast %get3A_135 : vector<16xf32> to vector<1x16xf32>
      tpu.vector_store %arg10[%swap3A_374, %swap3A_375], %swap3A_378 {strides = array<i32>} : memref<32x256xf32, #tpu.memory_space<vmem>>, vector<1x16xf32>,
      %swap3A_379 = arith.index_cast %scan3A_334 : i32 to index
      %swap3A_380 = arith.constant 144 : index
      %swap3A_381 = tpu.vector_load %arg10[%swap3A_379, %swap3A_380] {strides = array<i32>} : memref<32x256xf32, #tpu.memory_space<vmem>>, vector<1x16xf32>,
      %swap3A_382 = vector.shape_cast %swap3A_381 : vector<1x16xf32> to vector<16xf32>
      %swap3A_383 = vector.shape_cast %get3A_138 : vector<16xf32> to vector<1x16xf32>
      tpu.vector_store %arg10[%swap3A_379, %swap3A_380], %swap3A_383 {strides = array<i32>} : memref<32x256xf32, #tpu.memory_space<vmem>>, vector<1x16xf32>,
      %swap3A_384 = arith.index_cast %scan3A_334 : i32 to index
      %swap3A_385 = arith.constant 160 : index
      %swap3A_386 = tpu.vector_load %arg10[%swap3A_384, %swap3A_385] {strides = array<i32>} : memref<32x256xf32, #tpu.memory_space<vmem>>, vector<1x16xf32>,
      %swap3A_387 = vector.shape_cast %swap3A_386 : vector<1x16xf32> to vector<16xf32>
      %swap3A_388 = vector.shape_cast %get3A_141 : vector<16xf32> to vector<1x16xf32>
      tpu.vector_store %arg10[%swap3A_384, %swap3A_385], %swap3A_388 {strides = array<i32>} : memref<32x256xf32, #tpu.memory_space<vmem>>, vector<1x16xf32>,
      %swap3A_389 = arith.index_cast %scan3A_334 : i32 to index
      %swap3A_390 = arith.constant 176 : index
      %swap3A_391 = tpu.vector_load %arg10[%swap3A_389, %swap3A_390] {strides = array<i32>} : memref<32x256xf32, #tpu.memory_space<vmem>>, vector<1x16xf32>,
      %swap3A_392 = vector.shape_cast %swap3A_391 : vector<1x16xf32> to vector<16xf32>
      %swap3A_393 = vector.shape_cast %get3A_144 : vector<16xf32> to vector<1x16xf32>
      tpu.vector_store %arg10[%swap3A_389, %swap3A_390], %swap3A_393 {strides = array<i32>} : memref<32x256xf32, #tpu.memory_space<vmem>>, vector<1x16xf32>,
      %swap3A_394 = arith.index_cast %scan3A_334 : i32 to index
      %swap3A_395 = arith.constant 192 : index
      %swap3A_396 = tpu.vector_load %arg10[%swap3A_394, %swap3A_395] {strides = array<i32>} : memref<32x256xf32, #tpu.memory_space<vmem>>, vector<1x16xf32>,
      %swap3A_397 = vector.shape_cast %swap3A_396 : vector<1x16xf32> to vector<16xf32>
      %swap3A_398 = vector.shape_cast %get3A_147 : vector<16xf32> to vector<1x16xf32>
      tpu.vector_store %arg10[%swap3A_394, %swap3A_395], %swap3A_398 {strides = array<i32>} : memref<32x256xf32, #tpu.memory_space<vmem>>, vector<1x16xf32>,
      %swap3A_399 = arith.index_cast %scan3A_334 : i32 to index
      %swap3A_400 = arith.constant 208 : index
      %swap3A_401 = tpu.vector_load %arg10[%swap3A_399, %swap3A_400] {strides = array<i32>} : memref<32x256xf32, #tpu.memory_space<vmem>>, vector<1x16xf32>,
      %swap3A_402 = vector.shape_cast %swap3A_401 : vector<1x16xf32> to vector<16xf32>
      %swap3A_403 = vector.shape_cast %get3A_150 : vector<16xf32> to vector<1x16xf32>
      tpu.vector_store %arg10[%swap3A_399, %swap3A_400], %swap3A_403 {strides = array<i32>} : memref<32x256xf32, #tpu.memory_space<vmem>>, vector<1x16xf32>,
      %swap3A_404 = arith.index_cast %scan3A_334 : i32 to index
      %swap3A_405 = arith.constant 224 : index
      %swap3A_406 = tpu.vector_load %arg10[%swap3A_404, %swap3A_405] {strides = array<i32>} : memref<32x256xf32, #tpu.memory_space<vmem>>, vector<1x16xf32>,
      %swap3A_407 = vector.shape_cast %swap3A_406 : vector<1x16xf32> to vector<16xf32>
      %swap3A_408 = vector.shape_cast %get3A_153 : vector<16xf32> to vector<1x16xf32>
      tpu.vector_store %arg10[%swap3A_404, %swap3A_405], %swap3A_408 {strides = array<i32>} : memref<32x256xf32, #tpu.memory_space<vmem>>, vector<1x16xf32>,
      %swap3A_409 = arith.index_cast %scan3A_334 : i32 to index
      %swap3A_410 = arith.constant 240 : index
      %swap3A_411 = tpu.vector_load %arg10[%swap3A_409, %swap3A_410] {strides = array<i32>} : memref<32x256xf32, #tpu.memory_space<vmem>>, vector<1x16xf32>,
      %swap3A_412 = vector.shape_cast %swap3A_411 : vector<1x16xf32> to vector<16xf32>
      %swap3A_413 = vector.shape_cast %get3A_156 : vector<16xf32> to vector<1x16xf32>
      tpu.vector_store %arg10[%swap3A_409, %swap3A_410], %swap3A_413 {strides = array<i32>} : memref<32x256xf32, #tpu.memory_space<vmem>>, vector<1x16xf32>,
    }
    %scan3A_162 = arith.constant 32 : i32
    %dma_start3A_163 = arith.constant 0 : i32
    %dma_start3A_164 = arith.constant 0 : i32
    %dma_start3A_165 = arith.constant 256 : i32
    %dma_start3A_166 = tpu.memref_slice %arg4[%dma_start3A_163, %mul3A_0, %dma_start3A_164, %dma_start3A_165] : memref<1x32x32x512xf32, #tpu.memory_space<hbm>> -> memref<1x1x32x256xf32, #tpu.memory_space<hbm>>
    %dma_start3A_167 = tpu.memref_squeeze %dma_start3A_166 : memref<1x1x32x256xf32, #tpu.memory_space<hbm>> -> memref<32x256xf32, #tpu.memory_space<hbm>>
    %dma_start3A_168 = arith.constant 0 : i32
    %dma_start3A_169 = arith.constant 256 : i32
    %dma_start3A_170 = tpu.memref_slice %arg4[%dma_start3A_163, %mul3A_0, %dma_start3A_168, %dma_start3A_169] : memref<1x32x32x512xf32, #tpu.memory_space<hbm>> -> memref<1x1x32x256xf32, #tpu.memory_space<hbm>>
    %dma_start3A_171 = tpu.memref_squeeze %dma_start3A_170 : memref<1x1x32x256xf32, #tpu.memory_space<hbm>> -> memref<32x256xf32, #tpu.memory_space<hbm>>
    tpu.enqueue_dma source(%arg10 : memref<32x256xf32, #tpu.memory_space<vmem>>) target(%dma_start3A_171 : memref<32x256xf32, #tpu.memory_space<hbm>>) target_semaphore(%arg14 : memref<!tpu.dma_semaphore, #tpu.memory_space<semaphore_mem>>)
    %get3A_172 = arith.constant 0 : index
    %get3A_173 = tpu.vector_load %arg7[%get3A_172] {strides = array<i32>} : memref<256xf32, #tpu.memory_space<vmem>>, vector<16xf32>,
    %get3A_174 = vector.shape_cast %get3A_173 : vector<16xf32> to vector<16xf32>
    %get3A_175 = arith.constant 16 : index
    %get3A_176 = tpu.vector_load %arg7[%get3A_175] {strides = array<i32>} : memref<256xf32, #tpu.memory_space<vmem>>, vector<16xf32>,
    %get3A_177 = vector.shape_cast %get3A_176 : vector<16xf32> to vector<16xf32>
    %get3A_178 = arith.constant 32 : index
    %get3A_179 = tpu.vector_load %arg7[%get3A_178] {strides = array<i32>} : memref<256xf32, #tpu.memory_space<vmem>>, vector<16xf32>,
    %get3A_180 = vector.shape_cast %get3A_179 : vector<16xf32> to vector<16xf32>
    %get3A_181 = arith.constant 48 : index
    %get3A_182 = tpu.vector_load %arg7[%get3A_181] {strides = array<i32>} : memref<256xf32, #tpu.memory_space<vmem>>, vector<16xf32>,
    %get3A_183 = vector.shape_cast %get3A_182 : vector<16xf32> to vector<16xf32>
    %get3A_184 = arith.constant 64 : index
    %get3A_185 = tpu.vector_load %arg7[%get3A_184] {strides = array<i32>} : memref<256xf32, #tpu.memory_space<vmem>>, vector<16xf32>,
    %get3A_186 = vector.shape_cast %get3A_185 : vector<16xf32> to vector<16xf32>
    %get3A_187 = arith.constant 80 : index
    %get3A_188 = tpu.vector_load %arg7[%get3A_187] {strides = array<i32>} : memref<256xf32, #tpu.memory_space<vmem>>, vector<16xf32>,
    %get3A_189 = vector.shape_cast %get3A_188 : vector<16xf32> to vector<16xf32>
    %get3A_190 = arith.constant 96 : index
    %get3A_191 = tpu.vector_load %arg7[%get3A_190] {strides = array<i32>} : memref<256xf32, #tpu.memory_space<vmem>>, vector<16xf32>,
    %get3A_192 = vector.shape_cast %get3A_191 : vector<16xf32> to vector<16xf32>
    %get3A_193 = arith.constant 112 : index
    %get3A_194 = tpu.vector_load %arg7[%get3A_193] {strides = array<i32>} : memref<256xf32, #tpu.memory_space<vmem>>, vector<16xf32>,
    %get3A_195 = vector.shape_cast %get3A_194 : vector<16xf32> to vector<16xf32>
    %get3A_196 = arith.constant 128 : index
    %get3A_197 = tpu.vector_load %arg7[%get3A_196] {strides = array<i32>} : memref<256xf32, #tpu.memory_space<vmem>>, vector<16xf32>,
    %get3A_198 = vector.shape_cast %get3A_197 : vector<16xf32> to vector<16xf32>
    %get3A_199 = arith.constant 144 : index
    %get3A_200 = tpu.vector_load %arg7[%get3A_199] {strides = array<i32>} : memref<256xf32, #tpu.memory_space<vmem>>, vector<16xf32>,
    %get3A_201 = vector.shape_cast %get3A_200 : vector<16xf32> to vector<16xf32>
    %get3A_202 = arith.constant 160 : index
    %get3A_203 = tpu.vector_load %arg7[%get3A_202] {strides = array<i32>} : memref<256xf32, #tpu.memory_space<vmem>>, vector<16xf32>,
    %get3A_204 = vector.shape_cast %get3A_203 : vector<16xf32> to vector<16xf32>
    %get3A_205 = arith.constant 176 : index
    %get3A_206 = tpu.vector_load %arg7[%get3A_205] {strides = array<i32>} : memref<256xf32, #tpu.memory_space<vmem>>, vector<16xf32>,
    %get3A_207 = vector.shape_cast %get3A_206 : vector<16xf32> to vector<16xf32>
    %get3A_208 = arith.constant 192 : index
    %get3A_209 = tpu.vector_load %arg7[%get3A_208] {strides = array<i32>} : memref<256xf32, #tpu.memory_space<vmem>>, vector<16xf32>,
    %get3A_210 = vector.shape_cast %get3A_209 : vector<16xf32> to vector<16xf32>
    %get3A_211 = arith.constant 208 : index
    %get3A_212 = tpu.vector_load %arg7[%get3A_211] {strides = array<i32>} : memref<256xf32, #tpu.memory_space<vmem>>, vector<16xf32>,
    %get3A_213 = vector.shape_cast %get3A_212 : vector<16xf32> to vector<16xf32>
    %get3A_214 = arith.constant 224 : index
    %get3A_215 = tpu.vector_load %arg7[%get3A_214] {strides = array<i32>} : memref<256xf32, #tpu.memory_space<vmem>>, vector<16xf32>,
    %get3A_216 = vector.shape_cast %get3A_215 : vector<16xf32> to vector<16xf32>
    %get3A_217 = arith.constant 240 : index
    %get3A_218 = tpu.vector_load %arg7[%get3A_217] {strides = array<i32>} : memref<256xf32, #tpu.memory_space<vmem>>, vector<16xf32>,
    %get3A_219 = vector.shape_cast %get3A_218 : vector<16xf32> to vector<16xf32>
    %scan3A_220 = arith.constant 0 : i32
    %scan3A_221 = arith.constant 0 : i32
    %scan3A_222 = arith.constant 32 : i32
    %scan3A_223 = arith.addi %scan3A_221, %scan3A_222 : i32
    %scan3A_224 = arith.constant 1 : i32
    scf.for %scan3A_334 = %scan3A_221 to %scan3A_223 step %scan3A_224  : i32 {
      %swap3A = arith.index_cast %scan3A_334 : i32 to index
      %swap3A_335 = arith.constant 0 : index
      %swap3A_336 = tpu.vector_load %arg11[%swap3A, %swap3A_335] {strides = array<i32>} : memref<32x256xf32, #tpu.memory_space<vmem>>, vector<1x16xf32>,
      %swap3A_337 = vector.shape_cast %swap3A_336 : vector<1x16xf32> to vector<16xf32>
      %swap3A_338 = vector.shape_cast %get3A_174 : vector<16xf32> to vector<1x16xf32>
      tpu.vector_store %arg11[%swap3A, %swap3A_335], %swap3A_338 {strides = array<i32>} : memref<32x256xf32, #tpu.memory_space<vmem>>, vector<1x16xf32>,
      %swap3A_339 = arith.index_cast %scan3A_334 : i32 to index
      %swap3A_340 = arith.constant 16 : index
      %swap3A_341 = tpu.vector_load %arg11[%swap3A_339, %swap3A_340] {strides = array<i32>} : memref<32x256xf32, #tpu.memory_space<vmem>>, vector<1x16xf32>,
      %swap3A_342 = vector.shape_cast %swap3A_341 : vector<1x16xf32> to vector<16xf32>
      %swap3A_343 = vector.shape_cast %get3A_177 : vector<16xf32> to vector<1x16xf32>
      tpu.vector_store %arg11[%swap3A_339, %swap3A_340], %swap3A_343 {strides = array<i32>} : memref<32x256xf32, #tpu.memory_space<vmem>>, vector<1x16xf32>,
      %swap3A_344 = arith.index_cast %scan3A_334 : i32 to index
      %swap3A_345 = arith.constant 32 : index
      %swap3A_346 = tpu.vector_load %arg11[%swap3A_344, %swap3A_345] {strides = array<i32>} : memref<32x256xf32, #tpu.memory_space<vmem>>, vector<1x16xf32>,
      %swap3A_347 = vector.shape_cast %swap3A_346 : vector<1x16xf32> to vector<16xf32>
      %swap3A_348 = vector.shape_cast %get3A_180 : vector<16xf32> to vector<1x16xf32>
      tpu.vector_store %arg11[%swap3A_344, %swap3A_345], %swap3A_348 {strides = array<i32>} : memref<32x256xf32, #tpu.memory_space<vmem>>, vector<1x16xf32>,
      %swap3A_349 = arith.index_cast %scan3A_334 : i32 to index
      %swap3A_350 = arith.constant 48 : index
      %swap3A_351 = tpu.vector_load %arg11[%swap3A_349, %swap3A_350] {strides = array<i32>} : memref<32x256xf32, #tpu.memory_space<vmem>>, vector<1x16xf32>,
      %swap3A_352 = vector.shape_cast %swap3A_351 : vector<1x16xf32> to vector<16xf32>
      %swap3A_353 = vector.shape_cast %get3A_183 : vector<16xf32> to vector<1x16xf32>
      tpu.vector_store %arg11[%swap3A_349, %swap3A_350], %swap3A_353 {strides = array<i32>} : memref<32x256xf32, #tpu.memory_space<vmem>>, vector<1x16xf32>,
      %swap3A_354 = arith.index_cast %scan3A_334 : i32 to index
      %swap3A_355 = arith.constant 64 : index
      %swap3A_356 = tpu.vector_load %arg11[%swap3A_354, %swap3A_355] {strides = array<i32>} : memref<32x256xf32, #tpu.memory_space<vmem>>, vector<1x16xf32>,
      %swap3A_357 = vector.shape_cast %swap3A_356 : vector<1x16xf32> to vector<16xf32>
      %swap3A_358 = vector.shape_cast %get3A_186 : vector<16xf32> to vector<1x16xf32>
      tpu.vector_store %arg11[%swap3A_354, %swap3A_355], %swap3A_358 {strides = array<i32>} : memref<32x256xf32, #tpu.memory_space<vmem>>, vector<1x16xf32>,
      %swap3A_359 = arith.index_cast %scan3A_334 : i32 to index
      %swap3A_360 = arith.constant 80 : index
      %swap3A_361 = tpu.vector_load %arg11[%swap3A_359, %swap3A_360] {strides = array<i32>} : memref<32x256xf32, #tpu.memory_space<vmem>>, vector<1x16xf32>,
      %swap3A_362 = vector.shape_cast %swap3A_361 : vector<1x16xf32> to vector<16xf32>
      %swap3A_363 = vector.shape_cast %get3A_189 : vector<16xf32> to vector<1x16xf32>
      tpu.vector_store %arg11[%swap3A_359, %swap3A_360], %swap3A_363 {strides = array<i32>} : memref<32x256xf32, #tpu.memory_space<vmem>>, vector<1x16xf32>,
      %swap3A_364 = arith.index_cast %scan3A_334 : i32 to index
      %swap3A_365 = arith.constant 96 : index
      %swap3A_366 = tpu.vector_load %arg11[%swap3A_364, %swap3A_365] {strides = array<i32>} : memref<32x256xf32, #tpu.memory_space<vmem>>, vector<1x16xf32>,
      %swap3A_367 = vector.shape_cast %swap3A_366 : vector<1x16xf32> to vector<16xf32>
      %swap3A_368 = vector.shape_cast %get3A_192 : vector<16xf32> to vector<1x16xf32>
      tpu.vector_store %arg11[%swap3A_364, %swap3A_365], %swap3A_368 {strides = array<i32>} : memref<32x256xf32, #tpu.memory_space<vmem>>, vector<1x16xf32>,
      %swap3A_369 = arith.index_cast %scan3A_334 : i32 to index
      %swap3A_370 = arith.constant 112 : index
      %swap3A_371 = tpu.vector_load %arg11[%swap3A_369, %swap3A_370] {strides = array<i32>} : memref<32x256xf32, #tpu.memory_space<vmem>>, vector<1x16xf32>,
      %swap3A_372 = vector.shape_cast %swap3A_371 : vector<1x16xf32> to vector<16xf32>
      %swap3A_373 = vector.shape_cast %get3A_195 : vector<16xf32> to vector<1x16xf32>
      tpu.vector_store %arg11[%swap3A_369, %swap3A_370], %swap3A_373 {strides = array<i32>} : memref<32x256xf32, #tpu.memory_space<vmem>>, vector<1x16xf32>,
      %swap3A_374 = arith.index_cast %scan3A_334 : i32 to index
      %swap3A_375 = arith.constant 128 : index
      %swap3A_376 = tpu.vector_load %arg11[%swap3A_374, %swap3A_375] {strides = array<i32>} : memref<32x256xf32, #tpu.memory_space<vmem>>, vector<1x16xf32>,
      %swap3A_377 = vector.shape_cast %swap3A_376 : vector<1x16xf32> to vector<16xf32>
      %swap3A_378 = vector.shape_cast %get3A_198 : vector<16xf32> to vector<1x16xf32>
      tpu.vector_store %arg11[%swap3A_374, %swap3A_375], %swap3A_378 {strides = array<i32>} : memref<32x256xf32, #tpu.memory_space<vmem>>, vector<1x16xf32>,
      %swap3A_379 = arith.index_cast %scan3A_334 : i32 to index
      %swap3A_380 = arith.constant 144 : index
      %swap3A_381 = tpu.vector_load %arg11[%swap3A_379, %swap3A_380] {strides = array<i32>} : memref<32x256xf32, #tpu.memory_space<vmem>>, vector<1x16xf32>,
      %swap3A_382 = vector.shape_cast %swap3A_381 : vector<1x16xf32> to vector<16xf32>
      %swap3A_383 = vector.shape_cast %get3A_201 : vector<16xf32> to vector<1x16xf32>
      tpu.vector_store %arg11[%swap3A_379, %swap3A_380], %swap3A_383 {strides = array<i32>} : memref<32x256xf32, #tpu.memory_space<vmem>>, vector<1x16xf32>,
      %swap3A_384 = arith.index_cast %scan3A_334 : i32 to index
      %swap3A_385 = arith.constant 160 : index
      %swap3A_386 = tpu.vector_load %arg11[%swap3A_384, %swap3A_385] {strides = array<i32>} : memref<32x256xf32, #tpu.memory_space<vmem>>, vector<1x16xf32>,
      %swap3A_387 = vector.shape_cast %swap3A_386 : vector<1x16xf32> to vector<16xf32>
      %swap3A_388 = vector.shape_cast %get3A_204 : vector<16xf32> to vector<1x16xf32>
      tpu.vector_store %arg11[%swap3A_384, %swap3A_385], %swap3A_388 {strides = array<i32>} : memref<32x256xf32, #tpu.memory_space<vmem>>, vector<1x16xf32>,
      %swap3A_389 = arith.index_cast %scan3A_334 : i32 to index
      %swap3A_390 = arith.constant 176 : index
      %swap3A_391 = tpu.vector_load %arg11[%swap3A_389, %swap3A_390] {strides = array<i32>} : memref<32x256xf32, #tpu.memory_space<vmem>>, vector<1x16xf32>,
      %swap3A_392 = vector.shape_cast %swap3A_391 : vector<1x16xf32> to vector<16xf32>
      %swap3A_393 = vector.shape_cast %get3A_207 : vector<16xf32> to vector<1x16xf32>
      tpu.vector_store %arg11[%swap3A_389, %swap3A_390], %swap3A_393 {strides = array<i32>} : memref<32x256xf32, #tpu.memory_space<vmem>>, vector<1x16xf32>,
      %swap3A_394 = arith.index_cast %scan3A_334 : i32 to index
      %swap3A_395 = arith.constant 192 : index
      %swap3A_396 = tpu.vector_load %arg11[%swap3A_394, %swap3A_395] {strides = array<i32>} : memref<32x256xf32, #tpu.memory_space<vmem>>, vector<1x16xf32>,
      %swap3A_397 = vector.shape_cast %swap3A_396 : vector<1x16xf32> to vector<16xf32>
      %swap3A_398 = vector.shape_cast %get3A_210 : vector<16xf32> to vector<1x16xf32>
      tpu.vector_store %arg11[%swap3A_394, %swap3A_395], %swap3A_398 {strides = array<i32>} : memref<32x256xf32, #tpu.memory_space<vmem>>, vector<1x16xf32>,
      %swap3A_399 = arith.index_cast %scan3A_334 : i32 to index
      %swap3A_400 = arith.constant 208 : index
      %swap3A_401 = tpu.vector_load %arg11[%swap3A_399, %swap3A_400] {strides = array<i32>} : memref<32x256xf32, #tpu.memory_space<vmem>>, vector<1x16xf32>,
      %swap3A_402 = vector.shape_cast %swap3A_401 : vector<1x16xf32> to vector<16xf32>
      %swap3A_403 = vector.shape_cast %get3A_213 : vector<16xf32> to vector<1x16xf32>
      tpu.vector_store %arg11[%swap3A_399, %swap3A_400], %swap3A_403 {strides = array<i32>} : memref<32x256xf32, #tpu.memory_space<vmem>>, vector<1x16xf32>,
      %swap3A_404 = arith.index_cast %scan3A_334 : i32 to index
      %swap3A_405 = arith.constant 224 : index
      %swap3A_406 = tpu.vector_load %arg11[%swap3A_404, %swap3A_405] {strides = array<i32>} : memref<32x256xf32, #tpu.memory_space<vmem>>, vector<1x16xf32>,
      %swap3A_407 = vector.shape_cast %swap3A_406 : vector<1x16xf32> to vector<16xf32>
      %swap3A_408 = vector.shape_cast %get3A_216 : vector<16xf32> to vector<1x16xf32>
      tpu.vector_store %arg11[%swap3A_404, %swap3A_405], %swap3A_408 {strides = array<i32>} : memref<32x256xf32, #tpu.memory_space<vmem>>, vector<1x16xf32>,
      %swap3A_409 = arith.index_cast %scan3A_334 : i32 to index
      %swap3A_410 = arith.constant 240 : index
      %swap3A_411 = tpu.vector_load %arg11[%swap3A_409, %swap3A_410] {strides = array<i32>} : memref<32x256xf32, #tpu.memory_space<vmem>>, vector<1x16xf32>,
      %swap3A_412 = vector.shape_cast %swap3A_411 : vector<1x16xf32> to vector<16xf32>
      %swap3A_413 = vector.shape_cast %get3A_219 : vector<16xf32> to vector<1x16xf32>
      tpu.vector_store %arg11[%swap3A_409, %swap3A_410], %swap3A_413 {strides = array<i32>} : memref<32x256xf32, #tpu.memory_space<vmem>>, vector<1x16xf32>,
    }
    %scan3A_225 = arith.constant 32 : i32
    %dma_start3A_226 = arith.constant 0 : i32
    %dma_start3A_227 = arith.constant 0 : i32
    %dma_start3A_228 = arith.constant 0 : i32
    %dma_start3A_229 = tpu.memref_slice %arg4[%dma_start3A_226, %dma_start3A_227, %add3A_1, %dma_start3A_228] : memref<1x32x32x512xf32, #tpu.memory_space<hbm>> -> memref<1x32x1x256xf32, #tpu.memory_space<hbm>>
    %dma_start3A_230 = tpu.memref_squeeze %dma_start3A_229 : memref<1x32x1x256xf32, #tpu.memory_space<hbm>> -> memref<32x256xf32, #tpu.memory_space<hbm>>
    %dma_start3A_231 = arith.constant 0 : i32
    %dma_start3A_232 = arith.constant 0 : i32
    %dma_start3A_233 = tpu.memref_slice %arg4[%dma_start3A_226, %dma_start3A_231, %add3A_1, %dma_start3A_232] : memref<1x32x32x512xf32, #tpu.memory_space<hbm>> -> memref<1x32x1x256xf32, #tpu.memory_space<hbm>>
    %dma_start3A_234 = tpu.memref_squeeze %dma_start3A_233 : memref<1x32x1x256xf32, #tpu.memory_space<hbm>> -> memref<32x256xf32, #tpu.memory_space<hbm>>
    tpu.enqueue_dma source(%arg11 : memref<32x256xf32, #tpu.memory_space<vmem>>) target(%dma_start3A_234 : memref<32x256xf32, #tpu.memory_space<hbm>>) target_semaphore(%arg14 : memref<!tpu.dma_semaphore, #tpu.memory_space<semaphore_mem>>)
    %get3A_235 = arith.constant 0 : index
    %get3A_236 = tpu.vector_load %arg8[%get3A_235] {strides = array<i32>} : memref<256xf32, #tpu.memory_space<vmem>>, vector<16xf32>,
    %get3A_237 = vector.shape_cast %get3A_236 : vector<16xf32> to vector<16xf32>
    %get3A_238 = arith.constant 16 : index
    %get3A_239 = tpu.vector_load %arg8[%get3A_238] {strides = array<i32>} : memref<256xf32, #tpu.memory_space<vmem>>, vector<16xf32>,
    %get3A_240 = vector.shape_cast %get3A_239 : vector<16xf32> to vector<16xf32>
    %get3A_241 = arith.constant 32 : index
    %get3A_242 = tpu.vector_load %arg8[%get3A_241] {strides = array<i32>} : memref<256xf32, #tpu.memory_space<vmem>>, vector<16xf32>,
    %get3A_243 = vector.shape_cast %get3A_242 : vector<16xf32> to vector<16xf32>
    %get3A_244 = arith.constant 48 : index
    %get3A_245 = tpu.vector_load %arg8[%get3A_244] {strides = array<i32>} : memref<256xf32, #tpu.memory_space<vmem>>, vector<16xf32>,
    %get3A_246 = vector.shape_cast %get3A_245 : vector<16xf32> to vector<16xf32>
    %get3A_247 = arith.constant 64 : index
    %get3A_248 = tpu.vector_load %arg8[%get3A_247] {strides = array<i32>} : memref<256xf32, #tpu.memory_space<vmem>>, vector<16xf32>,
    %get3A_249 = vector.shape_cast %get3A_248 : vector<16xf32> to vector<16xf32>
    %get3A_250 = arith.constant 80 : index
    %get3A_251 = tpu.vector_load %arg8[%get3A_250] {strides = array<i32>} : memref<256xf32, #tpu.memory_space<vmem>>, vector<16xf32>,
    %get3A_252 = vector.shape_cast %get3A_251 : vector<16xf32> to vector<16xf32>
    %get3A_253 = arith.constant 96 : index
    %get3A_254 = tpu.vector_load %arg8[%get3A_253] {strides = array<i32>} : memref<256xf32, #tpu.memory_space<vmem>>, vector<16xf32>,
    %get3A_255 = vector.shape_cast %get3A_254 : vector<16xf32> to vector<16xf32>
    %get3A_256 = arith.constant 112 : index
    %get3A_257 = tpu.vector_load %arg8[%get3A_256] {strides = array<i32>} : memref<256xf32, #tpu.memory_space<vmem>>, vector<16xf32>,
    %get3A_258 = vector.shape_cast %get3A_257 : vector<16xf32> to vector<16xf32>
    %get3A_259 = arith.constant 128 : index
    %get3A_260 = tpu.vector_load %arg8[%get3A_259] {strides = array<i32>} : memref<256xf32, #tpu.memory_space<vmem>>, vector<16xf32>,
    %get3A_261 = vector.shape_cast %get3A_260 : vector<16xf32> to vector<16xf32>
    %get3A_262 = arith.constant 144 : index
    %get3A_263 = tpu.vector_load %arg8[%get3A_262] {strides = array<i32>} : memref<256xf32, #tpu.memory_space<vmem>>, vector<16xf32>,
    %get3A_264 = vector.shape_cast %get3A_263 : vector<16xf32> to vector<16xf32>
    %get3A_265 = arith.constant 160 : index
    %get3A_266 = tpu.vector_load %arg8[%get3A_265] {strides = array<i32>} : memref<256xf32, #tpu.memory_space<vmem>>, vector<16xf32>,
    %get3A_267 = vector.shape_cast %get3A_266 : vector<16xf32> to vector<16xf32>
    %get3A_268 = arith.constant 176 : index
    %get3A_269 = tpu.vector_load %arg8[%get3A_268] {strides = array<i32>} : memref<256xf32, #tpu.memory_space<vmem>>, vector<16xf32>,
    %get3A_270 = vector.shape_cast %get3A_269 : vector<16xf32> to vector<16xf32>
    %get3A_271 = arith.constant 192 : index
    %get3A_272 = tpu.vector_load %arg8[%get3A_271] {strides = array<i32>} : memref<256xf32, #tpu.memory_space<vmem>>, vector<16xf32>,
    %get3A_273 = vector.shape_cast %get3A_272 : vector<16xf32> to vector<16xf32>
    %get3A_274 = arith.constant 208 : index
    %get3A_275 = tpu.vector_load %arg8[%get3A_274] {strides = array<i32>} : memref<256xf32, #tpu.memory_space<vmem>>, vector<16xf32>,
    %get3A_276 = vector.shape_cast %get3A_275 : vector<16xf32> to vector<16xf32>
    %get3A_277 = arith.constant 224 : index
    %get3A_278 = tpu.vector_load %arg8[%get3A_277] {strides = array<i32>} : memref<256xf32, #tpu.memory_space<vmem>>, vector<16xf32>,
    %get3A_279 = vector.shape_cast %get3A_278 : vector<16xf32> to vector<16xf32>
    %get3A_280 = arith.constant 240 : index
    %get3A_281 = tpu.vector_load %arg8[%get3A_280] {strides = array<i32>} : memref<256xf32, #tpu.memory_space<vmem>>, vector<16xf32>,
    %get3A_282 = vector.shape_cast %get3A_281 : vector<16xf32> to vector<16xf32>
    %scan3A_283 = arith.constant 0 : i32
    %scan3A_284 = arith.constant 0 : i32
    %scan3A_285 = arith.constant 32 : i32
    %scan3A_286 = arith.addi %scan3A_284, %scan3A_285 : i32
    %scan3A_287 = arith.constant 1 : i32
    scf.for %scan3A_334 = %scan3A_284 to %scan3A_286 step %scan3A_287  : i32 {
      %swap3A = arith.index_cast %scan3A_334 : i32 to index
      %swap3A_335 = arith.constant 0 : index
      %swap3A_336 = tpu.vector_load %arg12[%swap3A, %swap3A_335] {strides = array<i32>} : memref<32x256xf32, #tpu.memory_space<vmem>>, vector<1x16xf32>,
      %swap3A_337 = vector.shape_cast %swap3A_336 : vector<1x16xf32> to vector<16xf32>
      %swap3A_338 = vector.shape_cast %get3A_237 : vector<16xf32> to vector<1x16xf32>
      tpu.vector_store %arg12[%swap3A, %swap3A_335], %swap3A_338 {strides = array<i32>} : memref<32x256xf32, #tpu.memory_space<vmem>>, vector<1x16xf32>,
      %swap3A_339 = arith.index_cast %scan3A_334 : i32 to index
      %swap3A_340 = arith.constant 16 : index
      %swap3A_341 = tpu.vector_load %arg12[%swap3A_339, %swap3A_340] {strides = array<i32>} : memref<32x256xf32, #tpu.memory_space<vmem>>, vector<1x16xf32>,
      %swap3A_342 = vector.shape_cast %swap3A_341 : vector<1x16xf32> to vector<16xf32>
      %swap3A_343 = vector.shape_cast %get3A_240 : vector<16xf32> to vector<1x16xf32>
      tpu.vector_store %arg12[%swap3A_339, %swap3A_340], %swap3A_343 {strides = array<i32>} : memref<32x256xf32, #tpu.memory_space<vmem>>, vector<1x16xf32>,
      %swap3A_344 = arith.index_cast %scan3A_334 : i32 to index
      %swap3A_345 = arith.constant 32 : index
      %swap3A_346 = tpu.vector_load %arg12[%swap3A_344, %swap3A_345] {strides = array<i32>} : memref<32x256xf32, #tpu.memory_space<vmem>>, vector<1x16xf32>,
      %swap3A_347 = vector.shape_cast %swap3A_346 : vector<1x16xf32> to vector<16xf32>
      %swap3A_348 = vector.shape_cast %get3A_243 : vector<16xf32> to vector<1x16xf32>
      tpu.vector_store %arg12[%swap3A_344, %swap3A_345], %swap3A_348 {strides = array<i32>} : memref<32x256xf32, #tpu.memory_space<vmem>>, vector<1x16xf32>,
      %swap3A_349 = arith.index_cast %scan3A_334 : i32 to index
      %swap3A_350 = arith.constant 48 : index
      %swap3A_351 = tpu.vector_load %arg12[%swap3A_349, %swap3A_350] {strides = array<i32>} : memref<32x256xf32, #tpu.memory_space<vmem>>, vector<1x16xf32>,
      %swap3A_352 = vector.shape_cast %swap3A_351 : vector<1x16xf32> to vector<16xf32>
      %swap3A_353 = vector.shape_cast %get3A_246 : vector<16xf32> to vector<1x16xf32>
      tpu.vector_store %arg12[%swap3A_349, %swap3A_350], %swap3A_353 {strides = array<i32>} : memref<32x256xf32, #tpu.memory_space<vmem>>, vector<1x16xf32>,
      %swap3A_354 = arith.index_cast %scan3A_334 : i32 to index
      %swap3A_355 = arith.constant 64 : index
      %swap3A_356 = tpu.vector_load %arg12[%swap3A_354, %swap3A_355] {strides = array<i32>} : memref<32x256xf32, #tpu.memory_space<vmem>>, vector<1x16xf32>,
      %swap3A_357 = vector.shape_cast %swap3A_356 : vector<1x16xf32> to vector<16xf32>
      %swap3A_358 = vector.shape_cast %get3A_249 : vector<16xf32> to vector<1x16xf32>
      tpu.vector_store %arg12[%swap3A_354, %swap3A_355], %swap3A_358 {strides = array<i32>} : memref<32x256xf32, #tpu.memory_space<vmem>>, vector<1x16xf32>,
      %swap3A_359 = arith.index_cast %scan3A_334 : i32 to index
      %swap3A_360 = arith.constant 80 : index
      %swap3A_361 = tpu.vector_load %arg12[%swap3A_359, %swap3A_360] {strides = array<i32>} : memref<32x256xf32, #tpu.memory_space<vmem>>, vector<1x16xf32>,
      %swap3A_362 = vector.shape_cast %swap3A_361 : vector<1x16xf32> to vector<16xf32>
      %swap3A_363 = vector.shape_cast %get3A_252 : vector<16xf32> to vector<1x16xf32>
      tpu.vector_store %arg12[%swap3A_359, %swap3A_360], %swap3A_363 {strides = array<i32>} : memref<32x256xf32, #tpu.memory_space<vmem>>, vector<1x16xf32>,
      %swap3A_364 = arith.index_cast %scan3A_334 : i32 to index
      %swap3A_365 = arith.constant 96 : index
      %swap3A_366 = tpu.vector_load %arg12[%swap3A_364, %swap3A_365] {strides = array<i32>} : memref<32x256xf32, #tpu.memory_space<vmem>>, vector<1x16xf32>,
      %swap3A_367 = vector.shape_cast %swap3A_366 : vector<1x16xf32> to vector<16xf32>
      %swap3A_368 = vector.shape_cast %get3A_255 : vector<16xf32> to vector<1x16xf32>
      tpu.vector_store %arg12[%swap3A_364, %swap3A_365], %swap3A_368 {strides = array<i32>} : memref<32x256xf32, #tpu.memory_space<vmem>>, vector<1x16xf32>,
      %swap3A_369 = arith.index_cast %scan3A_334 : i32 to index
      %swap3A_370 = arith.constant 112 : index
      %swap3A_371 = tpu.vector_load %arg12[%swap3A_369, %swap3A_370] {strides = array<i32>} : memref<32x256xf32, #tpu.memory_space<vmem>>, vector<1x16xf32>,
      %swap3A_372 = vector.shape_cast %swap3A_371 : vector<1x16xf32> to vector<16xf32>
      %swap3A_373 = vector.shape_cast %get3A_258 : vector<16xf32> to vector<1x16xf32>
      tpu.vector_store %arg12[%swap3A_369, %swap3A_370], %swap3A_373 {strides = array<i32>} : memref<32x256xf32, #tpu.memory_space<vmem>>, vector<1x16xf32>,
      %swap3A_374 = arith.index_cast %scan3A_334 : i32 to index
      %swap3A_375 = arith.constant 128 : index
      %swap3A_376 = tpu.vector_load %arg12[%swap3A_374, %swap3A_375] {strides = array<i32>} : memref<32x256xf32, #tpu.memory_space<vmem>>, vector<1x16xf32>,
      %swap3A_377 = vector.shape_cast %swap3A_376 : vector<1x16xf32> to vector<16xf32>
      %swap3A_378 = vector.shape_cast %get3A_261 : vector<16xf32> to vector<1x16xf32>
      tpu.vector_store %arg12[%swap3A_374, %swap3A_375], %swap3A_378 {strides = array<i32>} : memref<32x256xf32, #tpu.memory_space<vmem>>, vector<1x16xf32>,
      %swap3A_379 = arith.index_cast %scan3A_334 : i32 to index
      %swap3A_380 = arith.constant 144 : index
      %swap3A_381 = tpu.vector_load %arg12[%swap3A_379, %swap3A_380] {strides = array<i32>} : memref<32x256xf32, #tpu.memory_space<vmem>>, vector<1x16xf32>,
      %swap3A_382 = vector.shape_cast %swap3A_381 : vector<1x16xf32> to vector<16xf32>
      %swap3A_383 = vector.shape_cast %get3A_264 : vector<16xf32> to vector<1x16xf32>
      tpu.vector_store %arg12[%swap3A_379, %swap3A_380], %swap3A_383 {strides = array<i32>} : memref<32x256xf32, #tpu.memory_space<vmem>>, vector<1x16xf32>,
      %swap3A_384 = arith.index_cast %scan3A_334 : i32 to index
      %swap3A_385 = arith.constant 160 : index
      %swap3A_386 = tpu.vector_load %arg12[%swap3A_384, %swap3A_385] {strides = array<i32>} : memref<32x256xf32, #tpu.memory_space<vmem>>, vector<1x16xf32>,
      %swap3A_387 = vector.shape_cast %swap3A_386 : vector<1x16xf32> to vector<16xf32>
      %swap3A_388 = vector.shape_cast %get3A_267 : vector<16xf32> to vector<1x16xf32>
      tpu.vector_store %arg12[%swap3A_384, %swap3A_385], %swap3A_388 {strides = array<i32>} : memref<32x256xf32, #tpu.memory_space<vmem>>, vector<1x16xf32>,
      %swap3A_389 = arith.index_cast %scan3A_334 : i32 to index
      %swap3A_390 = arith.constant 176 : index
      %swap3A_391 = tpu.vector_load %arg12[%swap3A_389, %swap3A_390] {strides = array<i32>} : memref<32x256xf32, #tpu.memory_space<vmem>>, vector<1x16xf32>,
      %swap3A_392 = vector.shape_cast %swap3A_391 : vector<1x16xf32> to vector<16xf32>
      %swap3A_393 = vector.shape_cast %get3A_270 : vector<16xf32> to vector<1x16xf32>
      tpu.vector_store %arg12[%swap3A_389, %swap3A_390], %swap3A_393 {strides = array<i32>} : memref<32x256xf32, #tpu.memory_space<vmem>>, vector<1x16xf32>,
      %swap3A_394 = arith.index_cast %scan3A_334 : i32 to index
      %swap3A_395 = arith.constant 192 : index
      %swap3A_396 = tpu.vector_load %arg12[%swap3A_394, %swap3A_395] {strides = array<i32>} : memref<32x256xf32, #tpu.memory_space<vmem>>, vector<1x16xf32>,
      %swap3A_397 = vector.shape_cast %swap3A_396 : vector<1x16xf32> to vector<16xf32>
      %swap3A_398 = vector.shape_cast %get3A_273 : vector<16xf32> to vector<1x16xf32>
      tpu.vector_store %arg12[%swap3A_394, %swap3A_395], %swap3A_398 {strides = array<i32>} : memref<32x256xf32, #tpu.memory_space<vmem>>, vector<1x16xf32>,
      %swap3A_399 = arith.index_cast %scan3A_334 : i32 to index
      %swap3A_400 = arith.constant 208 : index
      %swap3A_401 = tpu.vector_load %arg12[%swap3A_399, %swap3A_400] {strides = array<i32>} : memref<32x256xf32, #tpu.memory_space<vmem>>, vector<1x16xf32>,
      %swap3A_402 = vector.shape_cast %swap3A_401 : vector<1x16xf32> to vector<16xf32>
      %swap3A_403 = vector.shape_cast %get3A_276 : vector<16xf32> to vector<1x16xf32>
      tpu.vector_store %arg12[%swap3A_399, %swap3A_400], %swap3A_403 {strides = array<i32>} : memref<32x256xf32, #tpu.memory_space<vmem>>, vector<1x16xf32>,
      %swap3A_404 = arith.index_cast %scan3A_334 : i32 to index
      %swap3A_405 = arith.constant 224 : index
      %swap3A_406 = tpu.vector_load %arg12[%swap3A_404, %swap3A_405] {strides = array<i32>} : memref<32x256xf32, #tpu.memory_space<vmem>>, vector<1x16xf32>,
      %swap3A_407 = vector.shape_cast %swap3A_406 : vector<1x16xf32> to vector<16xf32>
      %swap3A_408 = vector.shape_cast %get3A_279 : vector<16xf32> to vector<1x16xf32>
      tpu.vector_store %arg12[%swap3A_404, %swap3A_405], %swap3A_408 {strides = array<i32>} : memref<32x256xf32, #tpu.memory_space<vmem>>, vector<1x16xf32>,
      %swap3A_409 = arith.index_cast %scan3A_334 : i32 to index
      %swap3A_410 = arith.constant 240 : index
      %swap3A_411 = tpu.vector_load %arg12[%swap3A_409, %swap3A_410] {strides = array<i32>} : memref<32x256xf32, #tpu.memory_space<vmem>>, vector<1x16xf32>,
      %swap3A_412 = vector.shape_cast %swap3A_411 : vector<1x16xf32> to vector<16xf32>
      %swap3A_413 = vector.shape_cast %get3A_282 : vector<16xf32> to vector<1x16xf32>
      tpu.vector_store %arg12[%swap3A_409, %swap3A_410], %swap3A_413 {strides = array<i32>} : memref<32x256xf32, #tpu.memory_space<vmem>>, vector<1x16xf32>,
    }
    %scan3A_288 = arith.constant 32 : i32
    %dma_start3A_289 = arith.constant 0 : i32
    %dma_start3A_290 = arith.constant 0 : i32
    %dma_start3A_291 = arith.constant 256 : i32
    %dma_start3A_292 = tpu.memref_slice %arg4[%dma_start3A_289, %add3A_1, %dma_start3A_290, %dma_start3A_291] : memref<1x32x32x512xf32, #tpu.memory_space<hbm>> -> memref<1x1x32x256xf32, #tpu.memory_space<hbm>>
    %dma_start3A_293 = tpu.memref_squeeze %dma_start3A_292 : memref<1x1x32x256xf32, #tpu.memory_space<hbm>> -> memref<32x256xf32, #tpu.memory_space<hbm>>
    %dma_start3A_294 = arith.constant 0 : i32
    %dma_start3A_295 = arith.constant 256 : i32
    %dma_start3A_296 = tpu.memref_slice %arg4[%dma_start3A_289, %add3A_1, %dma_start3A_294, %dma_start3A_295] : memref<1x32x32x512xf32, #tpu.memory_space<hbm>> -> memref<1x1x32x256xf32, #tpu.memory_space<hbm>>
    %dma_start3A_297 = tpu.memref_squeeze %dma_start3A_296 : memref<1x1x32x256xf32, #tpu.memory_space<hbm>> -> memref<32x256xf32, #tpu.memory_space<hbm>>
    tpu.enqueue_dma source(%arg12 : memref<32x256xf32, #tpu.memory_space<vmem>>) target(%dma_start3A_297 : memref<32x256xf32, #tpu.memory_space<hbm>>) target_semaphore(%arg14 : memref<!tpu.dma_semaphore, #tpu.memory_space<semaphore_mem>>)
    %dma_wait3A_298 = arith.constant 0 : i32
    %dma_wait3A_299 = arith.constant 0 : i32
    %dma_wait3A_300 = arith.constant 0 : i32
    %dma_wait3A_301 = tpu.memref_slice %arg4[%dma_wait3A_298, %dma_wait3A_299, %mul3A_0, %dma_wait3A_300] : memref<1x32x32x512xf32, #tpu.memory_space<hbm>> -> memref<1x32x1x256xf32, #tpu.memory_space<hbm>>
    %dma_wait3A_302 = tpu.memref_squeeze %dma_wait3A_301 : memref<1x32x1x256xf32, #tpu.memory_space<hbm>> -> memref<32x256xf32, #tpu.memory_space<hbm>>
    %dma_wait3A_303 = arith.constant 0 : i32
    %dma_wait3A_304 = arith.constant 0 : i32
    %dma_wait3A_305 = tpu.memref_slice %arg4[%dma_wait3A_298, %dma_wait3A_303, %mul3A_0, %dma_wait3A_304] : memref<1x32x32x512xf32, #tpu.memory_space<hbm>> -> memref<1x32x1x256xf32, #tpu.memory_space<hbm>>
    %dma_wait3A_306 = tpu.memref_squeeze %dma_wait3A_305 : memref<1x32x1x256xf32, #tpu.memory_space<hbm>> -> memref<32x256xf32, #tpu.memory_space<hbm>>
    tpu.wait_dma2 semaphore(%arg14 : memref<!tpu.dma_semaphore, #tpu.memory_space<semaphore_mem>>) src(%arg9 : memref<32x256xf32, #tpu.memory_space<vmem>>) dst(%dma_wait3A_306 : memref<32x256xf32, #tpu.memory_space<hbm>>)
    %dma_wait3A_307 = arith.constant 0 : i32
    %dma_wait3A_308 = arith.constant 0 : i32
    %dma_wait3A_309 = arith.constant 256 : i32
    %dma_wait3A_310 = tpu.memref_slice %arg4[%dma_wait3A_307, %mul3A_0, %dma_wait3A_308, %dma_wait3A_309] : memref<1x32x32x512xf32, #tpu.memory_space<hbm>> -> memref<1x1x32x256xf32, #tpu.memory_space<hbm>>
    %dma_wait3A_311 = tpu.memref_squeeze %dma_wait3A_310 : memref<1x1x32x256xf32, #tpu.memory_space<hbm>> -> memref<32x256xf32, #tpu.memory_space<hbm>>
    %dma_wait3A_312 = arith.constant 0 : i32
    %dma_wait3A_313 = arith.constant 256 : i32
    %dma_wait3A_314 = tpu.memref_slice %arg4[%dma_wait3A_307, %mul3A_0, %dma_wait3A_312, %dma_wait3A_313] : memref<1x32x32x512xf32, #tpu.memory_space<hbm>> -> memref<1x1x32x256xf32, #tpu.memory_space<hbm>>
    %dma_wait3A_315 = tpu.memref_squeeze %dma_wait3A_314 : memref<1x1x32x256xf32, #tpu.memory_space<hbm>> -> memref<32x256xf32, #tpu.memory_space<hbm>>
    tpu.wait_dma2 semaphore(%arg14 : memref<!tpu.dma_semaphore, #tpu.memory_space<semaphore_mem>>) src(%arg10 : memref<32x256xf32, #tpu.memory_space<vmem>>) dst(%dma_wait3A_315 : memref<32x256xf32, #tpu.memory_space<hbm>>)
    %dma_wait3A_316 = arith.constant 0 : i32
    %dma_wait3A_317 = arith.constant 0 : i32
    %dma_wait3A_318 = arith.constant 0 : i32
    %dma_wait3A_319 = tpu.memref_slice %arg4[%dma_wait3A_316, %dma_wait3A_317, %add3A_1, %dma_wait3A_318] : memref<1x32x32x512xf32, #tpu.memory_space<hbm>> -> memref<1x32x1x256xf32, #tpu.memory_space<hbm>>
    %dma_wait3A_320 = tpu.memref_squeeze %dma_wait3A_319 : memref<1x32x1x256xf32, #tpu.memory_space<hbm>> -> memref<32x256xf32, #tpu.memory_space<hbm>>
    %dma_wait3A_321 = arith.constant 0 : i32
    %dma_wait3A_322 = arith.constant 0 : i32
    %dma_wait3A_323 = tpu.memref_slice %arg4[%dma_wait3A_316, %dma_wait3A_321, %add3A_1, %dma_wait3A_322] : memref<1x32x32x512xf32, #tpu.memory_space<hbm>> -> memref<1x32x1x256xf32, #tpu.memory_space<hbm>>
    %dma_wait3A_324 = tpu.memref_squeeze %dma_wait3A_323 : memref<1x32x1x256xf32, #tpu.memory_space<hbm>> -> memref<32x256xf32, #tpu.memory_space<hbm>>
    tpu.wait_dma2 semaphore(%arg14 : memref<!tpu.dma_semaphore, #tpu.memory_space<semaphore_mem>>) src(%arg11 : memref<32x256xf32, #tpu.memory_space<vmem>>) dst(%dma_wait3A_324 : memref<32x256xf32, #tpu.memory_space<hbm>>)
    %dma_wait3A_325 = arith.constant 0 : i32
    %dma_wait3A_326 = arith.constant 0 : i32
    %dma_wait3A_327 = arith.constant 256 : i32
    %dma_wait3A_328 = tpu.memref_slice %arg4[%dma_wait3A_325, %add3A_1, %dma_wait3A_326, %dma_wait3A_327] : memref<1x32x32x512xf32, #tpu.memory_space<hbm>> -> memref<1x1x32x256xf32, #tpu.memory_space<hbm>>
    %dma_wait3A_329 = tpu.memref_squeeze %dma_wait3A_328 : memref<1x1x32x256xf32, #tpu.memory_space<hbm>> -> memref<32x256xf32, #tpu.memory_space<hbm>>
    %dma_wait3A_330 = arith.constant 0 : i32
    %dma_wait3A_331 = arith.constant 256 : i32
    %dma_wait3A_332 = tpu.memref_slice %arg4[%dma_wait3A_325, %add3A_1, %dma_wait3A_330, %dma_wait3A_331] : memref<1x32x32x512xf32, #tpu.memory_space<hbm>> -> memref<1x1x32x256xf32, #tpu.memory_space<hbm>>
    %dma_wait3A_333 = tpu.memref_squeeze %dma_wait3A_332 : memref<1x1x32x256xf32, #tpu.memory_space<hbm>> -> memref<32x256xf32, #tpu.memory_space<hbm>>
    tpu.wait_dma2 semaphore(%arg14 : memref<!tpu.dma_semaphore, #tpu.memory_space<semaphore_mem>>) src(%arg12 : memref<32x256xf32, #tpu.memory_space<vmem>>) dst(%dma_wait3A_333 : memref<32x256xf32, #tpu.memory_space<hbm>>)
    return
  }
}

</mosaic_0001>

<sc_bundles>
// kernel: kernel.3.cloned.1.call-start
scs
__scs_entry_jumppad:
0x0: {  	(pc) =	sbr.rel $0x88, $3  }
0x1: {  	(tag) =	ssettag $0x0;
	lr =	simm.s32 $0x1  }
0x2: {  	[smem:$0x3F9F] =	sst lr;
	_ =	strace $0xD0000000  }
0x3: {  	_ = 	snop  }
0x4: {  	_ = 	snop  }
0x5: {  	_ = 	snop  }
0x6: {  	_ = 	snop  }
0x7: {  	_ = 	snop  }
__scs_overlays_trampoline_lowered:
0x8: {  	[smem:$0x3FAE] =	sst s0  }
0x9: {  	[smem:$0x3FAF] =	sst s1  }
0xa: {  	[smem:$0x3FB0] =	sst s2  }
0xb: {  	[smem:$0x3FB1] =	sst s3  }
0xc: {  	[smem:$0x3FB2] =	sst s4  }
0xd: {  	[smem:$0x3FB3] =	sst s5  }
0xe: {  	[smem:$0x3FB4] =	sst s6  }
0xf: {  	[smem:$0x3FB5] =	sst s7  }
0x10: {  	[smem:$0x3FB6] =	sst s8  }
0x11: {  	[smem:$0x3FB7] =	sst s9;
	s0 =	simm.s32 @!p0 $0x0  }
0x12: {  	s1 =	sld [smem:$0x3F9D];
	s0 =	simm.s32 @p0 $0x1  }
0x13: {  	[smem:$0x3FB8] =	sst s0;
	s0 =	simm.s32 @!p1 $0x0  }
0x14: {  	s2 =	sld [smem:$0x3F9C];
	s0 =	simm.s32 @p1 $0x1  }
0x15: {  	[smem:$0x3FB9] =	sst s0;
	s0 =	simm.s32 @!p2 $0x0  }
0x16: {  	s3 =	sld [smem:$0x3FDB];
	s0 =	simm.s32 @p2 $0x1  }
0x17: {  	s4 =	simm.s32 $0x1BF5;
	[smem:$0x3FBB] =	sst s0  }
0x18: {  	s0 =	sld [smem:$0x3F9E];
	_ =	swait.ge [sflag:s4], $0x0  }
0x19: {  	s7 =	sld [smem:$0x3F9F]  }
0x1a: {  	s8 =	sadd.s32 $0xFFFFE003, lr  }
0x1b: {  	s9 =	sadd.s32 $0xFFFFFEF7, lr;
	s5 =	simm.s32 $0xFFFFFFFF;
	p2 =	slt.u32 s8, $0xFFFFF086  }
0x1c: {  	p1 =	slt.u32 s9, $0xF7A;
	s5 =	simm.s32 @!p2 $0x0  }
0x1d: {  	s5 =	simm.s32 @p1 $0x1;
	p0 =	seq.s32 s7, s2  }
0x1e: {  	s7 =	smul.u32 @!p0 $0xF7A, s2;
	p2 =	seq.s32 @!p0 s5, $0x0  }
0x1f: {  	s9 =	smul.u32 $0xF7A, s1;
	s8 =	simm.s32 @!p0 $0x1BF5;
	p2 =	por !p2, p0  }
0x20: {  	[sflag:s8] =	ssyncset.s32 @!p0 $0xFFFFF086;
	s6 =	sadd.s32 @!p0 s3, s7;
	s7 =	simm.s32 @!p0 $0x108  }
0x21: {  	s3 =	sadd.s32 s3, s9;
	s6 =	sadd.s32 @!p0 $0x88, s6;
	s7 =	simm.s32 @p2 $0x1082  }
0x22: {  	[simem:s7], [sflag:s8] =	dma.local @!p0 [hbm:s6], $0xF7A  }
0x23: {  	s9 =	sor.u32 $0xD0000000, s2;
	s6 =	simm.s32 $0x108;
	_ =	swait.ge @!p0 [sflag:s8], $0x0  }
0x24: {  	s3 =	sadd.s32 $0x88, s3;
	s6 =	simm.s32 @!p1 $0x1082;
	[sflag:s4] =	ssyncset.s32 $0xFFFFF086  }
0x25: {  	[simem:s6], [sflag:s4] =	dma.local [hbm:s3], $0xF7A  }
0x26: {  	[smem:$0x3F9F] =	sst s1;
	(tag) =	ssettag s2;
	_ =	strace s9  }
0x27: {  	s1 =	sld [smem:$0x3FAF]  }
0x28: {  	s2 =	sld [smem:$0x3FB0]  }
0x29: {  	s4 =	sld [smem:$0x3FB2]  }
0x2a: {  	p0 =	seq.s32 s5, $0x0;
	s5 =	sld [smem:$0x3FB3]  }
0x2b: {  	s6 =	sld [smem:$0x3FB4]  }
0x2c: {  	s7 =	sld [smem:$0x3FB5]  }
0x2d: {  	s3 =	simm.s32 $0x108;
	s8 =	sld [smem:$0x3FB6]  }
0x2e: {  	s3 =	simm.s32 @!p0 $0x1082;
	s9 =	sld [smem:$0x3FB7]  }
0x2f: {  	lr =	sadd.s32 s0, s3;
	s0 =	sld [smem:$0x3FAE]  }
0x30: {  	s3 =	sld [smem:$0x3FB1]  }
0x31: {  	[smem:$0x3FBA] =	sst s10  }
0x32: {  	s10 =	sld [smem:$0x3FB8];
	_ =	sdelay $0x3  }
0x33: {  	p0 =	seq.s32 s10, $0x1;
	s10 =	sld [smem:$0x3FBA];
	_ =	sdelay $0x3  }
0x34: {  	[smem:$0x3FBA] =	sst s10  }
0x35: {  	s10 =	sld [smem:$0x3FB9];
	_ =	sdelay $0x3  }
0x36: {  	p1 =	seq.s32 s10, $0x1;
	s10 =	sld [smem:$0x3FBA];
	_ =	sdelay $0x3  }
0x37: {  	[smem:$0x3FBA] =	sst s10  }
0x38: {  	s10 =	sld [smem:$0x3FBB]  }
0x39: {  	_ = 	snop;
	(pc) =	sbr.ind lr, $3  }
0x3a: {  	_ = 	snop  }
0x3b: {  	_ = 	snop  }
0x3c: {  	p2 =	seq.s32 s10, $0x1;
	s10 =	sld [smem:$0x3FBA]  }
0x3d: {  	_ =	shalt  }
0x3e: {  	_ =	shalt  }
0x3f: {  	_ =	shalt  }
0x40: {  	_ =	shalt  }
0x41: {  	_ =	shalt  }
0x42: {  	_ =	shalt  }
0x43: {  	_ =	shalt  }
0x44: {  	_ =	shalt  }
0x45: {  	_ =	shalt  }
0x46: {  	_ =	shalt  }
0x47: {  	_ =	shalt  }
0x48: {  	_ =	shalt  }
0x49: {  	_ =	shalt  }
0x4a: {  	_ =	shalt  }
0x4b: {  	_ =	shalt  }
0x4c: {  	_ =	shalt  }
0x4d: {  	_ =	shalt  }
0x4e: {  	_ =	shalt  }
0x4f: {  	_ =	shalt  }
0x50: {  	_ =	shalt  }
0x51: {  	_ =	shalt  }
0x52: {  	_ =	shalt  }
0x53: {  	_ =	shalt  }
0x54: {  	_ =	shalt  }
0x55: {  	_ =	shalt  }
0x56: {  	_ =	shalt  }
0x57: {  	_ =	shalt  }
0x58: {  	_ =	shalt  }
0x59: {  	_ =	shalt  }
0x5a: {  	_ =	shalt  }
0x5b: {  	_ =	shalt  }
0x5c: {  	_ =	shalt  }
0x5d: {  	_ =	shalt  }
0x5e: {  	_ =	shalt  }
0x5f: {  	_ =	shalt  }
0x60: {  	_ =	shalt  }
0x61: {  	_ =	shalt  }
0x62: {  	_ =	shalt  }
0x63: {  	_ =	shalt  }
0x64: {  	_ =	shalt  }
0x65: {  	_ =	shalt  }
0x66: {  	_ =	shalt  }
0x67: {  	_ =	shalt  }
0x68: {  	_ =	shalt  }
0x69: {  	_ =	shalt  }
0x6a: {  	_ =	shalt  }
0x6b: {  	_ =	shalt  }
0x6c: {  	_ =	shalt  }
0x6d: {  	_ =	shalt  }
0x6e: {  	_ =	shalt  }
0x6f: {  	_ =	shalt  }
0x70: {  	_ =	shalt  }
0x71: {  	_ =	shalt  }
0x72: {  	_ =	shalt  }
0x73: {  	_ =	shalt  }
0x74: {  	_ =	shalt  }
0x75: {  	_ =	shalt  }
0x76: {  	_ =	shalt  }
0x77: {  	_ =	shalt  }
0x78: {  	_ =	shalt  }
0x79: {  	_ =	shalt  }
0x7a: {  	_ =	shalt  }
0x7b: {  	_ =	shalt  }
0x7c: {  	_ =	shalt  }
0x7d: {  	_ =	shalt  }
0x7e: {  	_ =	shalt  }
0x7f: {  	_ =	shalt  }
0x80: {  	_ =	shalt  }
0x81: {  	_ =	shalt  }
0x82: {  	_ =	shalt  }
0x83: {  	_ =	shalt  }
0x84: {  	_ =	shalt  }
0x85: {  	_ =	shalt  }
0x86: {  	_ =	shalt  }
0x87: {  	_ =	shalt  }
.Lfunc_end0:
.L_simem_size_0:
called_computation_lowered:
.L_overlay_start_0:
0x88: {  	s0 =	sld [smem:$0x3FD9]  }
0x89: {  	s1 =	sld [smem:$0x3FFE];
	_ =	sdelay $0x3  }
0x8a: {  	s0 =	sadd.s32 s1, s0  }
0x8b: {  	[smem:$0x3FC6] =	sst s0  }
0x8c: {  	_ = 	snop  }
0x8d: {  	s0 =	sld [smem:$0x3FC9]  }
0x8e: {  	s17 =	sld [smem:$0x3FC8]  }
0x8f: {  	s2 =	sld [smem:$0x3FD0];
	(tm) =	ssettm $0x1  }
0x90: {  	s3 =	sld [smem:$0x3FFB];
	_ =	sdelay $0x3  }
0x91: {  	_ =	strace s3  }
0x92: {  	s3 =	sld [smem:$0x3FFC];
	_ =	sdelay $0x3  }
0x93: {  	_ =	strace s3  }
0x94: {  	s3 =	sld [smem:$0x3FFD];
	_ =	sdelay $0x3  }
0x95: {  	_ =	strace s3  }
0x96: {  	_ =	strace $0x8FFFFFFF  }
0x97: {  	s18 =	sld [smem:$0x3FDB];
	_ =	sdelay $0x1  }
0x98: {  	s4 =	simm.s32 $_scs_section_size  }
0x99: {  	s5 =	simm.s32 $_size__tile_overlayer_lowered;
	s6 =	simm.s32 $_tile_overlayer_lowered  }
0x9a: {  	s21 =	simm.s32 $0x1BFF;
	s20 =	sshll.u32 s6, $0x1;
	s3 =	sadd.s32 s4, s18  }
0x9b: {  	s7 =	simm.s32 $0x0;
	s19 =	sshll.u32 s5, $0x1;
	s5 =	sadd.s32 s20, s3  }
0x9c: {  	[timem:s7], [sflag:s21] =	dma.local [hbm:s5], s19  }
0x9d: {  	_ =	swait.ge [sflag:s21], s19  }
0x9e: {  	s4 =	ssub.s32 $0x0, s19;
	[sflag:s21] =	ssyncset.done $0x0  }
0x9f: {  	[sflag:s21] =	ssyncadd.s32 s4;
	_ =	sdelay $0x1  }
0xa0: {  	s22 =	simm.s32 $0x1B8B  }
0xa1: {  	_ =	swait.ge [sflag:s22], $0x1  }
0xa2: {  	[sflag:s22] =	ssyncset.done $0x0  }
0xa3: {  	s23 =	simm.s32 $0x1B8E;
	[sflag:s22] =	ssyncadd.s32 $0xFFFFFFFF  }
0xa4: {  	s24 =	simm.s32 $execute0_lowered;
	[smem:$0x3FD2] =	sst s23  }
0xa5: {  	s4 =	sshll.u32 s24, $0x1;
	_ =	strace $0x80000046;
	[dreg:$0x1] =	wrdreg $0xFFFFFFFF  }
0xa6: {  	s25 =	simm.s32 $_size_execute0_lowered;
	s3 =	sadd.s32 s3, s4;
	[dreg:$0x0] =	wrdreg $0x0  }
0xa7: {  	s4 =	sshll.u32 s25, $0x1;
	[dreg:$0x2] =	wrdreg s3  }
0xa8: {  	[dreg:$0x3] =	wrdreg s4  }
0xa9: {  	[dreg:$0x4] =	wrdreg $0xC0  }
0xaa: {  	_ =	task [dreg:s7], $0x5FFFF  }
0xab: {  	[dreg:$0x1] =	wrdreg $0xFFFFFFFF  }
0xac: {  	[dreg:$0x0] =	wrdreg $0x60  }
0xad: {  	[dreg:$0x2] =	wrdreg s0  }
0xae: {  	[dreg:$0x3] =	wrdreg s17  }
0xaf: {  	[dreg:$0x4] =	wrdreg s2  }
0xb0: {  	[dreg:$0x5] =	wrdreg $0x9  }
0xb1: {  	_ =	task.clear_ibuf [dreg:s7], $0x6FFFF;
	_ =	strace $0x90000046  }
0xb2: {  	s26 =	simm.s32 $0x9;
	_ =	strace $0x80000048  }
0xb3: {  	_ =	swait.ge [sflag:s26], $0x1  }
0xb4: {  	[sflag:s26] =	ssyncadd.s32 $0xFFFFFFFF  }
0xb5: {  	_ =	strace $0x90000048  }
0xb6: {  	_ =	sfence  }
0xb7: {  	s28 =	sld [smem:$0x0];
	_ =	sdelay $0x1  }
0xb8: {  	s29 =	srdreg.scid  }
0xb9: {  	s30 =	sshll.u32 s29, $0xD;
	s31 =	sshrl.u32 s29, $0x2  }
0xba: {  	s1 =	sand.u32 $0x1, s29;
	s2 =	sand.u32 $0x4000, s30;
	s0 =	sadd.s32 s31, s28  }
0xbb: {  	s1 =	sor.u32 s2, s1;
	s0 =	sshll.u32 s0, $0x11  }
0xbc: {  	s0 =	sor.u32 s0, s1  }
0xbd: {  	s0 =	sadd.s32 $0x8F2B, s0  }
0xbe: {  	[sflag:s0] =	ssyncadd.remote.s32 $0x1  }
0xbf: {  	_ =	sfence.sel $0xFFFF  }
0xc0: {  	[dreg:$0x0] =	wrdreg $0xFFFFFFFF;
	(pc) =	sbr.abs _section_cstart, $3  }
0xc1: {  	[dreg:$0x1] =	wrdreg $0xFFFFFFFF  }
0xc2: {  	_ =	task.clear_ibuf [dreg:s7], $0x2FFFF;
	_ =	strace $0x9FFFFFFF  }
0xc3: {  	(tm) =	ssettm $0x7FFFFFFF  }
tec
execute0_lowered:
.L_overlay_start_1:
0x0: {  	(tag) =	ssettag $0x1  }
0x1: {  	s7 =	rddreg [dreg:$0x0];
	s1 =	stileid.u32  }
0x2: {  	s8 =	rddreg [dreg:$0x1];
	s5 =	sshrl.u32 s1, $0x2;
	s2 =	sshll.u32 s1, $0x8  }
0x3: {  	s3 =	rddreg [dreg:$0x2];
	s6 =	sand.u32 $0x300, s2;
	s10 =	sshll.u32 s5, $0xB  }
0x4: {  	s0 =	rddreg [dreg:$0x3];
	s9 =	simm.s32 $0x0;
	s2 =	sor.u32 s6, s10  }
0x5: {  	s11 =	simm.s32 $0x80;
	[smem:$0x7FF] =	sst s9;
	s4 =	sshrl.u32 s2, $0x3  }
0x6: {  	s12 =	simm.s32 $0x400;
	_ =	strace $0x80000047;
	s2 =	sadd.s32 s8, s4  }
0x7: {  	[tilespmem:s9], [sflag:$0x1] =	stream.strided.gather [hbm4b:s2+s11], $0x100, s12, s11, $0x38;
	[tilespmem:$0x8400] =	vst v63  }
0x8: {  	s2 =	sshllo.u32 s1, $0x1  }
0x9: {  	s13 =	simm.s32 $0x100;
	s4 =	sadd.s32 s7, s4;
	s24 =	sshll.u32 s2, $0x7  }
0xa: {  	[tilespmem:s13], [sflag:$0x1] =	stream.strided.gather [hbm4b:s4+s11], $0x100, s12, s11, $0x38;
	[tilespmem:$0x8400] =	vst v63  }
0xb: {  	s4 =	sand.u32 $0x380, s24  }
0xc: {  	s10 =	sor.u32 s10, s4  }
0xd: {  	s10 =	sshrl.u32 s10, $0x3  }
0xe: {  	s25 =	simm.s32 $0x200;
	s8 =	sadd.s32 s8, s10  }
0xf: {  	[tilespmem:s25], [sflag:$0x1] =	stream.strided.gather [hbm4b:s8+s11], $0x100, s12, s11, $0x38;
	[tilespmem:$0x8400] =	vst v63  }
0x10: {  	s26 =	simm.s32 $0x300;
	s28 =	simm.s32 $0x1;
	s7 =	sadd.s32 s7, s10  }
0x11: {  	[tilespmem:s26], [sflag:$0x1] =	stream.strided.gather [hbm4b:s7+s11], $0x100, s12, s11, $0x38;
	[tilespmem:$0x8400] =	vst v63  }
0x12: {  	_ =	swait.ge [sflag:s28], $0x100  }
0x13: {  	[sflag:s28] =	ssyncset.done $0x0  }
0x14: {  	[sflag:s28] =	ssyncadd.s32 $0xFFFFFF00  }
0x15: {  	_ =	swait.ge [sflag:s28], $0x100  }
0x16: {  	[sflag:s28] =	ssyncset.done $0x0  }
0x17: {  	[sflag:s28] =	ssyncadd.s32 $0xFFFFFF00  }
0x18: {  	_ =	swait.ge [sflag:s28], $0x100  }
0x19: {  	[sflag:s28] =	ssyncset.done $0x0  }
0x1a: {  	[sflag:s28] =	ssyncadd.s32 $0xFFFFFF00  }
0x1b: {  	_ =	swait.ge [sflag:s28], $0x100  }
0x1c: {  	[sflag:s28] =	ssyncset.done $0x0  }
0x1d: {  	[sflag:s28] =	ssyncadd.s32 $0xFFFFFF00  }
0x1e: {  	v3 =	vld [tilespmem:$0x0]  }
0x1f: {  	v4 =	vld [tilespmem:$0x10]  }
0x20: {  	v5 =	vld [tilespmem:$0x20]  }
0x21: {  	v6 =	vld [tilespmem:$0x30]  }
0x22: {  	v7 =	vld [tilespmem:$0x40]  }
0x23: {  	v8 =	vld [tilespmem:$0x50]  }
0x24: {  	v9 =	vld [tilespmem:$0x60]  }
0x25: {  	v10 =	vld [tilespmem:$0x70]  }
0x26: {  	v11 =	vld [tilespmem:$0x80]  }
0x27: {  	v12 =	vld [tilespmem:$0x90]  }
0x28: {  	v15 =	vld [tilespmem:$0xF0]  }
0x29: {  	v13 =	vld [tilespmem:$0xA0]  }
0x2a: {  	v14 =	vld [tilespmem:$0xB0]  }
0x2b: {  	s29 =	sand.u32 $0x1800, s9;
	s30 =	sand.u32 $0x380, s9;
	v1 =	vld [tilespmem:$0xC0]  }
0x2c: {  	s7 =	sor.u32 s30, s29;
	v0 =	vld [tilespmem:$0xD0]  }
0x2d: {  	v2 =	vld [tilespmem:$0xE0];
	[tilespmem:s7+$0x870] =	vst v15  }
0x2e: {  	[tilespmem:s7+$0x400] =	vst v3  }
0x2f: {  	[tilespmem:s7+$0x410] =	vst v4  }
0x30: {  	[tilespmem:s7+$0x420] =	vst v5  }
0x31: {  	[tilespmem:s7+$0x430] =	vst v6  }
0x32: {  	[tilespmem:s7+$0x440] =	vst v7  }
0x33: {  	[tilespmem:s7+$0x450] =	vst v8  }
0x34: {  	[tilespmem:s7+$0x460] =	vst v9  }
0x35: {  	[tilespmem:s7+$0x470] =	vst v10  }
0x36: {  	[tilespmem:s7+$0x800] =	vst v11  }
0x37: {  	[tilespmem:s7+$0x810] =	vst v12  }
0x38: {  	[tilespmem:s7+$0x820] =	vst v13  }
0x39: {  	[tilespmem:s7+$0x830] =	vst v14  }
0x3a: {  	s31 =	simm.s32 $0x100;
	s8 =	simm.s32 $0x80;
	[tilespmem:s7+$0x840] =	vst v1  }
0x3b: {  	s9 =	simm.s32 $0x200;
	s10 =	sand.u32 $0x1800, s31;
	s11 =	sand.u32 $0x380, s8;
	[tilespmem:s7+$0x850] =	vst v0  }
.LBB2_1:
0x3c: {  	p0 =	sne.s32 s9, $0x1F00;
	[tilespmem:s7+$0x860] =	vst v2;
	s7 =	sor.u32 s11, s10  }
0x3d: {  	[tilespmem:s7+$0x870] =	vst v15  }
0x3e: {  	[tilespmem:s7+$0x400] =	vst v3  }
0x3f: {  	[tilespmem:s7+$0x410] =	vst v4  }
0x40: {  	[tilespmem:s7+$0x420] =	vst v5  }
0x41: {  	[tilespmem:s7+$0x430] =	vst v6  }
0x42: {  	[tilespmem:s7+$0x440] =	vst v7  }
0x43: {  	[tilespmem:s7+$0x450] =	vst v8  }
0x44: {  	[tilespmem:s7+$0x460] =	vst v9  }
0x45: {  	[tilespmem:s7+$0x470] =	vst v10  }
0x46: {  	[tilespmem:s7+$0x800] =	vst v11  }
.Ltmp0:
0x47: {  	[tilespmem:s7+$0x810] =	vst v12;
	(pc) =	sbr.rel @p0 .LBB2_1-.Ltmp0, $4  }
0x48: {  	[tilespmem:s7+$0x820] =	vst v13  }
0x49: {  	[tilespmem:s7+$0x830] =	vst v14  }
0x4a: {  	s8 =	sadd.s32 $0x80, s8;
	[tilespmem:s7+$0x840] =	vst v1  }
0x4b: {  	s10 =	sand.u32 $0x1800, s9;
	s9 =	sadd.s32 $0x100, s9;
	s11 =	sand.u32 $0x380, s8;
	[tilespmem:s7+$0x850] =	vst v0  }
0x4c: {  	s8 =	sor.u32 s11, s10;
	[tilespmem:s7+$0x860] =	vst v2  }
0x4d: {  	[tilespmem:s8+$0x870] =	vst v15  }
0x4e: {  	[tilespmem:s8+$0x400] =	vst v3  }
0x4f: {  	[tilespmem:s8+$0x410] =	vst v4  }
0x50: {  	[tilespmem:s8+$0x420] =	vst v5  }
0x51: {  	[tilespmem:s8+$0x430] =	vst v6  }
0x52: {  	[tilespmem:s8+$0x440] =	vst v7  }
0x53: {  	[tilespmem:s8+$0x450] =	vst v8  }
0x54: {  	[tilespmem:s8+$0x460] =	vst v9  }
0x55: {  	[tilespmem:s8+$0x470] =	vst v10  }
0x56: {  	[tilespmem:s8+$0x800] =	vst v11  }
0x57: {  	[tilespmem:s8+$0x810] =	vst v12  }
0x58: {  	[tilespmem:s8+$0x820] =	vst v13  }
0x59: {  	s5 =	sshll.u32 s5, $0xC;
	[tilespmem:s8+$0x830] =	vst v14  }
0x5a: {  	s6 =	sor.u32 s6, s5;
	[tilespmem:s8+$0x840] =	vst v1  }
0x5b: {  	s13 =	simm.s32 $0x80;
	[tilespmem:s8+$0x850] =	vst v0;
	s6 =	sshrl.u32 s6, $0x3  }
0x5c: {  	s14 =	simm.s32 $0x4000;
	s9 =	simm.s32 $0x400;
	[tilespmem:s8+$0x860] =	vst v2;
	s6 =	sadd.s32 s3, s6  }
0x5d: {  	[hbm4b:s6+s13] =	stream.strided.scatter [tilespmem:s9], [sflag:$0x2], $0x400, s14, s13, $0x38;
	[tilespmem:$0x8400] =	vst v63  }
0x5e: {  	s16 =	simm.s32 $0x800;
	s15 =	sadd.s32 $0x80, s6  }
0x5f: {  	[hbm4b:s15+s13] =	stream.strided.scatter [tilespmem:s16], [sflag:$0x2], $0x400, s14, s13, $0x38;
	[tilespmem:$0x8400] =	vst v63  }
0x60: {  	s18 =	simm.s32 $0xC00;
	s17 =	sadd.s32 $0x4000, s6  }
0x61: {  	[hbm4b:s17+s13] =	stream.strided.scatter [tilespmem:s18], [sflag:$0x2], $0x400, s14, s13, $0x38;
	[tilespmem:$0x8400] =	vst v63  }
0x62: {  	s20 =	simm.s32 $0x1000;
	s19 =	sadd.s32 $0x4080, s6  }
0x63: {  	[hbm4b:s19+s13] =	stream.strided.scatter [tilespmem:s20], [sflag:$0x2], $0x400, s14, s13, $0x38;
	[tilespmem:$0x8400] =	vst v63  }
0x64: {  	s22 =	simm.s32 $0x1400;
	s21 =	sadd.s32 $0x8000, s6  }
0x65: {  	[hbm4b:s21+s13] =	stream.strided.scatter [tilespmem:s22], [sflag:$0x2], $0x400, s14, s13, $0x38;
	[tilespmem:$0x8400] =	vst v63  }
0x66: {  	s24 =	simm.s32 $0x1800;
	s23 =	sadd.s32 $0x8080, s6  }
0x67: {  	[hbm4b:s23+s13] =	stream.strided.scatter [tilespmem:s24], [sflag:$0x2], $0x400, s14, s13, $0x38;
	[tilespmem:$0x8400] =	vst v63  }
0x68: {  	s26 =	simm.s32 $0x1C00;
	s25 =	sadd.s32 $0xC000, s6  }
0x69: {  	[hbm4b:s25+s13] =	stream.strided.scatter [tilespmem:s26], [sflag:$0x2], $0x400, s14, s13, $0x38;
	[tilespmem:$0x8400] =	vst v63  }
0x6a: {  	s28 =	simm.s32 $0x2000;
	s6 =	sadd.s32 $0xC080, s6  }
0x6b: {  	[hbm4b:s6+s13] =	stream.strided.scatter [tilespmem:s28], [sflag:$0x2], $0x400, s14, s13, $0x38;
	[tilespmem:$0x8400] =	vst v63  }
0x6c: {  	v0 =	vld [tilespmem:$0x100]  }
0x6d: {  	v1 =	vld [tilespmem:$0x110]  }
0x6e: {  	v2 =	vld [tilespmem:$0x120]  }
0x6f: {  	v3 =	vld [tilespmem:$0x130]  }
0x70: {  	v4 =	vld [tilespmem:$0x140]  }
0x71: {  	v5 =	vld [tilespmem:$0x150]  }
0x72: {  	v6 =	vld [tilespmem:$0x160]  }
0x73: {  	v7 =	vld [tilespmem:$0x170]  }
0x74: {  	v8 =	vld [tilespmem:$0x180]  }
0x75: {  	v9 =	vld [tilespmem:$0x190]  }
0x76: {  	v15 =	vld [tilespmem:$0x1F0]  }
0x77: {  	v10 =	vld [tilespmem:$0x1A0]  }
0x78: {  	s29 =	simm.s32 $0x0;
	v12 =	vld [tilespmem:$0x1B0]  }
0x79: {  	s30 =	sand.u32 $0x1800, s29;
	s6 =	sand.u32 $0x380, s29;
	v13 =	vld [tilespmem:$0x1C0]  }
0x7a: {  	v11 =	vld [tilespmem:$0x1D0];
	s6 =	sor.u32 s6, s30  }
0x7b: {  	v14 =	vld [tilespmem:$0x1E0];
	[tilespmem:s6+$0x2870] =	vst v15  }
0x7c: {  	[tilespmem:s6+$0x2400] =	vst v0  }
0x7d: {  	[tilespmem:s6+$0x2410] =	vst v1  }
0x7e: {  	[tilespmem:s6+$0x2420] =	vst v2  }
0x7f: {  	[tilespmem:s6+$0x2430] =	vst v3  }
0x80: {  	[tilespmem:s6+$0x2440] =	vst v4  }
0x81: {  	[tilespmem:s6+$0x2450] =	vst v5  }
0x82: {  	[tilespmem:s6+$0x2460] =	vst v6  }
0x83: {  	[tilespmem:s6+$0x2470] =	vst v7  }
0x84: {  	[tilespmem:s6+$0x2800] =	vst v8  }
0x85: {  	[tilespmem:s6+$0x2810] =	vst v9  }
0x86: {  	[tilespmem:s6+$0x2820] =	vst v10  }
0x87: {  	[tilespmem:s6+$0x2830] =	vst v12  }
0x88: {  	s31 =	simm.s32 $0x100;
	s7 =	simm.s32 $0x80;
	[tilespmem:s6+$0x2840] =	vst v13  }
0x89: {  	s10 =	sand.u32 $0x380, s7;
	s8 =	simm.s32 $0x200;
	s9 =	sand.u32 $0x1800, s31;
	[tilespmem:s6+$0x2850] =	vst v11  }
.LBB2_3:
0x8a: {  	p0 =	sne.s32 s8, $0x1F00;
	[tilespmem:s6+$0x2860] =	vst v14;
	s6 =	sor.u32 s10, s9  }
0x8b: {  	[tilespmem:s6+$0x2870] =	vst v15  }
0x8c: {  	[tilespmem:s6+$0x2400] =	vst v0  }
0x8d: {  	[tilespmem:s6+$0x2410] =	vst v1  }
0x8e: {  	[tilespmem:s6+$0x2420] =	vst v2  }
0x8f: {  	[tilespmem:s6+$0x2430] =	vst v3  }
0x90: {  	[tilespmem:s6+$0x2440] =	vst v4  }
0x91: {  	[tilespmem:s6+$0x2450] =	vst v5  }
0x92: {  	[tilespmem:s6+$0x2460] =	vst v6  }
0x93: {  	[tilespmem:s6+$0x2470] =	vst v7  }
0x94: {  	[tilespmem:s6+$0x2800] =	vst v8  }
.Ltmp1:
0x95: {  	[tilespmem:s6+$0x2810] =	vst v9;
	(pc) =	sbr.rel @p0 .LBB2_3-.Ltmp1, $4  }
0x96: {  	[tilespmem:s6+$0x2820] =	vst v10  }
0x97: {  	[tilespmem:s6+$0x2830] =	vst v12  }
0x98: {  	s7 =	sadd.s32 $0x80, s7;
	[tilespmem:s6+$0x2840] =	vst v13  }
0x99: {  	s9 =	sand.u32 $0x1800, s8;
	s8 =	sadd.s32 $0x100, s8;
	s10 =	sand.u32 $0x380, s7;
	[tilespmem:s6+$0x2850] =	vst v11  }
0x9a: {  	s7 =	sor.u32 s10, s9;
	[tilespmem:s6+$0x2860] =	vst v14  }
0x9b: {  	[tilespmem:s7+$0x2870] =	vst v15  }
0x9c: {  	[tilespmem:s7+$0x2400] =	vst v0  }
0x9d: {  	[tilespmem:s7+$0x2410] =	vst v1  }
0x9e: {  	[tilespmem:s7+$0x2420] =	vst v2  }
0x9f: {  	[tilespmem:s7+$0x2430] =	vst v3  }
0xa0: {  	[tilespmem:s7+$0x2440] =	vst v4  }
0xa1: {  	[tilespmem:s7+$0x2450] =	vst v5  }
0xa2: {  	[tilespmem:s7+$0x2460] =	vst v6  }
0xa3: {  	[tilespmem:s7+$0x2470] =	vst v7  }
0xa4: {  	[tilespmem:s7+$0x2800] =	vst v8  }
0xa5: {  	[tilespmem:s7+$0x2810] =	vst v9  }
0xa6: {  	[tilespmem:s7+$0x2820] =	vst v10  }
0xa7: {  	[tilespmem:s7+$0x2830] =	vst v12  }
0xa8: {  	[tilespmem:s7+$0x2840] =	vst v13  }
0xa9: {  	s8 =	sshll.u32 s1, $0xC;
	s6 =	sadd.s32 $0x100, s3;
	s25 =	simm.s32 $0x800;
	[tilespmem:s7+$0x2850] =	vst v11  }
0xaa: {  	s26 =	simm.s32 $0x1000;
	s28 =	simm.s32 $0x2400;
	s8 =	sadd.s32 s8, s6;
	[tilespmem:s7+$0x2860] =	vst v14  }
0xab: {  	[hbm4b:s8+s25] =	stream.strided.scatter [tilespmem:s28], [sflag:$0x2], $0x2000, s26, s25, $0x38;
	[tilespmem:$0x8400] =	vst v63  }
0xac: {  	v0 =	vld [tilespmem:$0x200]  }
0xad: {  	v1 =	vld [tilespmem:$0x210]  }
0xae: {  	v2 =	vld [tilespmem:$0x220]  }
0xaf: {  	v3 =	vld [tilespmem:$0x230]  }
0xb0: {  	v4 =	vld [tilespmem:$0x240]  }
0xb1: {  	v5 =	vld [tilespmem:$0x250]  }
0xb2: {  	v6 =	vld [tilespmem:$0x260]  }
0xb3: {  	v7 =	vld [tilespmem:$0x270]  }
0xb4: {  	v8 =	vld [tilespmem:$0x280]  }
0xb5: {  	v9 =	vld [tilespmem:$0x290]  }
0xb6: {  	v15 =	vld [tilespmem:$0x2F0]  }
0xb7: {  	v10 =	vld [tilespmem:$0x2A0]  }
0xb8: {  	s29 =	simm.s32 $0x0;
	v13 =	vld [tilespmem:$0x2B0]  }
0xb9: {  	s30 =	sand.u32 $0x1800, s29;
	s7 =	sand.u32 $0x380, s29;
	v11 =	vld [tilespmem:$0x2C0]  }
0xba: {  	s7 =	sor.u32 s7, s30;
	v12 =	vld [tilespmem:$0x2D0]  }
0xbb: {  	v14 =	vld [tilespmem:$0x2E0];
	[tilespmem:s7+$0x4870] =	vst v15  }
0xbc: {  	[tilespmem:s7+$0x4400] =	vst v0  }
0xbd: {  	[tilespmem:s7+$0x4410] =	vst v1  }
0xbe: {  	[tilespmem:s7+$0x4420] =	vst v2  }
0xbf: {  	[tilespmem:s7+$0x4430] =	vst v3  }
0xc0: {  	[tilespmem:s7+$0x4440] =	vst v4  }
0xc1: {  	[tilespmem:s7+$0x4450] =	vst v5  }
0xc2: {  	[tilespmem:s7+$0x4460] =	vst v6  }
0xc3: {  	[tilespmem:s7+$0x4470] =	vst v7  }
0xc4: {  	[tilespmem:s7+$0x4800] =	vst v8  }
0xc5: {  	[tilespmem:s7+$0x4810] =	vst v9  }
0xc6: {  	[tilespmem:s7+$0x4820] =	vst v10  }
0xc7: {  	[tilespmem:s7+$0x4830] =	vst v13  }
0xc8: {  	s31 =	simm.s32 $0x100;
	s8 =	simm.s32 $0x80;
	[tilespmem:s7+$0x4840] =	vst v11  }
0xc9: {  	s9 =	simm.s32 $0x200;
	s10 =	sand.u32 $0x1800, s31;
	s11 =	sand.u32 $0x380, s8;
	[tilespmem:s7+$0x4850] =	vst v12  }
.LBB2_5:
0xca: {  	p0 =	sne.s32 s9, $0x1F00;
	[tilespmem:s7+$0x4860] =	vst v14;
	s7 =	sor.u32 s11, s10  }
0xcb: {  	[tilespmem:s7+$0x4870] =	vst v15  }
0xcc: {  	[tilespmem:s7+$0x4400] =	vst v0  }
0xcd: {  	[tilespmem:s7+$0x4410] =	vst v1  }
0xce: {  	[tilespmem:s7+$0x4420] =	vst v2  }
0xcf: {  	[tilespmem:s7+$0x4430] =	vst v3  }
0xd0: {  	[tilespmem:s7+$0x4440] =	vst v4  }
0xd1: {  	[tilespmem:s7+$0x4450] =	vst v5  }
0xd2: {  	[tilespmem:s7+$0x4460] =	vst v6  }
0xd3: {  	[tilespmem:s7+$0x4470] =	vst v7  }
0xd4: {  	[tilespmem:s7+$0x4800] =	vst v8  }
.Ltmp2:
0xd5: {  	[tilespmem:s7+$0x4810] =	vst v9;
	(pc) =	sbr.rel @p0 .LBB2_5-.Ltmp2, $4  }
0xd6: {  	[tilespmem:s7+$0x4820] =	vst v10  }
0xd7: {  	[tilespmem:s7+$0x4830] =	vst v13  }
0xd8: {  	s8 =	sadd.s32 $0x80, s8;
	[tilespmem:s7+$0x4840] =	vst v11  }
0xd9: {  	s10 =	sand.u32 $0x1800, s9;
	s9 =	sadd.s32 $0x100, s9;
	s11 =	sand.u32 $0x380, s8;
	[tilespmem:s7+$0x4850] =	vst v12  }
0xda: {  	s8 =	sor.u32 s11, s10;
	[tilespmem:s7+$0x4860] =	vst v14  }
0xdb: {  	[tilespmem:s8+$0x4870] =	vst v15  }
0xdc: {  	[tilespmem:s8+$0x4400] =	vst v0  }
0xdd: {  	[tilespmem:s8+$0x4410] =	vst v1  }
0xde: {  	[tilespmem:s8+$0x4420] =	vst v2  }
0xdf: {  	[tilespmem:s8+$0x4430] =	vst v3  }
0xe0: {  	[tilespmem:s8+$0x4440] =	vst v4  }
0xe1: {  	[tilespmem:s8+$0x4450] =	vst v5  }
0xe2: {  	[tilespmem:s8+$0x4460] =	vst v6  }
0xe3: {  	[tilespmem:s8+$0x4470] =	vst v7  }
0xe4: {  	[tilespmem:s8+$0x4800] =	vst v8  }
0xe5: {  	[tilespmem:s8+$0x4810] =	vst v9  }
0xe6: {  	[tilespmem:s8+$0x4820] =	vst v10  }
0xe7: {  	[tilespmem:s8+$0x4830] =	vst v13  }
0xe8: {  	s4 =	sor.u32 s5, s4;
	[tilespmem:s8+$0x4840] =	vst v11  }
0xe9: {  	s12 =	simm.s32 $0x80;
	s4 =	sshrl.u32 s4, $0x3;
	[tilespmem:s8+$0x4850] =	vst v12  }
0xea: {  	s13 =	simm.s32 $0x4000;
	s14 =	simm.s32 $0x4400;
	[tilespmem:s8+$0x4860] =	vst v14;
	s3 =	sadd.s32 s3, s4  }
0xeb: {  	[hbm4b:s3+s12] =	stream.strided.scatter [tilespmem:s14], [sflag:$0x2], $0x400, s13, s12, $0x38;
	[tilespmem:$0x8400] =	vst v63  }
0xec: {  	s16 =	simm.s32 $0x4800;
	s15 =	sadd.s32 $0x80, s3  }
0xed: {  	[hbm4b:s15+s12] =	stream.strided.scatter [tilespmem:s16], [sflag:$0x2], $0x400, s13, s12, $0x38;
	[tilespmem:$0x8400] =	vst v63  }
0xee: {  	s18 =	simm.s32 $0x4C00;
	s17 =	sadd.s32 $0x4000, s3  }
0xef: {  	[hbm4b:s17+s12] =	stream.strided.scatter [tilespmem:s18], [sflag:$0x2], $0x400, s13, s12, $0x38;
	[tilespmem:$0x8400] =	vst v63  }
0xf0: {  	s20 =	simm.s32 $0x5000;
	s19 =	sadd.s32 $0x4080, s3  }
0xf1: {  	[hbm4b:s19+s12] =	stream.strided.scatter [tilespmem:s20], [sflag:$0x2], $0x400, s13, s12, $0x38;
	[tilespmem:$0x8400] =	vst v63  }
0xf2: {  	s22 =	simm.s32 $0x5400;
	s21 =	sadd.s32 $0x8000, s3  }
0xf3: {  	[hbm4b:s21+s12] =	stream.strided.scatter [tilespmem:s22], [sflag:$0x2], $0x400, s13, s12, $0x38;
	[tilespmem:$0x8400] =	vst v63  }
0xf4: {  	s24 =	simm.s32 $0x5800;
	s23 =	sadd.s32 $0x8080, s3  }
0xf5: {  	[hbm4b:s23+s12] =	stream.strided.scatter [tilespmem:s24], [sflag:$0x2], $0x400, s13, s12, $0x38;
	[tilespmem:$0x8400] =	vst v63  }
0xf6: {  	s26 =	simm.s32 $0x5C00;
	s25 =	sadd.s32 $0xC000, s3  }
0xf7: {  	[hbm4b:s25+s12] =	stream.strided.scatter [tilespmem:s26], [sflag:$0x2], $0x400, s13, s12, $0x38;
	[tilespmem:$0x8400] =	vst v63  }
0xf8: {  	s28 =	simm.s32 $0x6000;
	s3 =	sadd.s32 $0xC080, s3  }
0xf9: {  	[hbm4b:s3+s12] =	stream.strided.scatter [tilespmem:s28], [sflag:$0x2], $0x400, s13, s12, $0x38;
	[tilespmem:$0x8400] =	vst v63  }
0xfa: {  	v0 =	vld [tilespmem:$0x300]  }
0xfb: {  	v1 =	vld [tilespmem:$0x310]  }
0xfc: {  	v2 =	vld [tilespmem:$0x320]  }
0xfd: {  	v3 =	vld [tilespmem:$0x330]  }
0xfe: {  	v4 =	vld [tilespmem:$0x340]  }
0xff: {  	v5 =	vld [tilespmem:$0x350]  }
0x100: {  	v6 =	vld [tilespmem:$0x360]  }
0x101: {  	v7 =	vld [tilespmem:$0x370]  }
0x102: {  	v8 =	vld [tilespmem:$0x380]  }
0x103: {  	v9 =	vld [tilespmem:$0x390]  }
0x104: {  	v15 =	vld [tilespmem:$0x3F0]  }
0x105: {  	v10 =	vld [tilespmem:$0x3A0]  }
0x106: {  	s29 =	simm.s32 $0x0;
	v11 =	vld [tilespmem:$0x3B0]  }
0x107: {  	s30 =	sand.u32 $0x1800, s29;
	s3 =	sand.u32 $0x380, s29;
	v12 =	vld [tilespmem:$0x3C0]  }
0x108: {  	v13 =	vld [tilespmem:$0x3D0];
	s3 =	sor.u32 s3, s30  }
0x109: {  	v14 =	vld [tilespmem:$0x3E0];
	[tilespmem:s3+$0x6870] =	vst v15  }
0x10a: {  	[tilespmem:s3+$0x6400] =	vst v0  }
0x10b: {  	[tilespmem:s3+$0x6410] =	vst v1  }
0x10c: {  	[tilespmem:s3+$0x6420] =	vst v2  }
0x10d: {  	[tilespmem:s3+$0x6430] =	vst v3  }
0x10e: {  	[tilespmem:s3+$0x6440] =	vst v4  }
0x10f: {  	[tilespmem:s3+$0x6450] =	vst v5  }
0x110: {  	[tilespmem:s3+$0x6460] =	vst v6  }
0x111: {  	[tilespmem:s3+$0x6470] =	vst v7  }
0x112: {  	[tilespmem:s3+$0x6800] =	vst v8  }
0x113: {  	[tilespmem:s3+$0x6810] =	vst v9  }
0x114: {  	[tilespmem:s3+$0x6820] =	vst v10  }
0x115: {  	[tilespmem:s3+$0x6830] =	vst v11  }
0x116: {  	s31 =	simm.s32 $0x100;
	s4 =	simm.s32 $0x80;
	[tilespmem:s3+$0x6840] =	vst v12  }
0x117: {  	s5 =	simm.s32 $0x200;
	s7 =	sand.u32 $0x1800, s31;
	s8 =	sand.u32 $0x380, s4;
	[tilespmem:s3+$0x6850] =	vst v13  }
.LBB2_7:
0x118: {  	p0 =	sne.s32 s5, $0x1F00;
	[tilespmem:s3+$0x6860] =	vst v14;
	s3 =	sor.u32 s8, s7  }
0x119: {  	[tilespmem:s3+$0x6870] =	vst v15  }
0x11a: {  	[tilespmem:s3+$0x6400] =	vst v0  }
0x11b: {  	[tilespmem:s3+$0x6410] =	vst v1  }
0x11c: {  	[tilespmem:s3+$0x6420] =	vst v2  }
0x11d: {  	[tilespmem:s3+$0x6430] =	vst v3  }
0x11e: {  	[tilespmem:s3+$0x6440] =	vst v4  }
0x11f: {  	[tilespmem:s3+$0x6450] =	vst v5  }
0x120: {  	[tilespmem:s3+$0x6460] =	vst v6  }
0x121: {  	[tilespmem:s3+$0x6470] =	vst v7  }
0x122: {  	[tilespmem:s3+$0x6800] =	vst v8  }
.Ltmp3:
0x123: {  	[tilespmem:s3+$0x6810] =	vst v9;
	(pc) =	sbr.rel @p0 .LBB2_7-.Ltmp3, $4  }
0x124: {  	[tilespmem:s3+$0x6820] =	vst v10  }
0x125: {  	[tilespmem:s3+$0x6830] =	vst v11  }
0x126: {  	s4 =	sadd.s32 $0x80, s4;
	[tilespmem:s3+$0x6840] =	vst v12  }
0x127: {  	s7 =	sand.u32 $0x1800, s5;
	s5 =	sadd.s32 $0x100, s5;
	s8 =	sand.u32 $0x380, s4;
	[tilespmem:s3+$0x6850] =	vst v13  }
0x128: {  	s4 =	sor.u32 s8, s7;
	[tilespmem:s3+$0x6860] =	vst v14  }
0x129: {  	[tilespmem:s4+$0x6870] =	vst v15  }
0x12a: {  	[tilespmem:s4+$0x6400] =	vst v0  }
0x12b: {  	[tilespmem:s4+$0x6410] =	vst v1  }
0x12c: {  	[tilespmem:s4+$0x6420] =	vst v2  }
0x12d: {  	[tilespmem:s4+$0x6430] =	vst v3  }
0x12e: {  	[tilespmem:s4+$0x6440] =	vst v4  }
0x12f: {  	[tilespmem:s4+$0x6450] =	vst v5  }
0x130: {  	[tilespmem:s4+$0x6460] =	vst v6  }
0x131: {  	[tilespmem:s4+$0x6470] =	vst v7  }
0x132: {  	[tilespmem:s4+$0x6800] =	vst v8  }
0x133: {  	[tilespmem:s4+$0x6810] =	vst v9  }
0x134: {  	[tilespmem:s4+$0x6820] =	vst v10  }
0x135: {  	[tilespmem:s4+$0x6830] =	vst v11  }
0x136: {  	[tilespmem:s4+$0x6840] =	vst v12  }
0x137: {  	s2 =	sshll.u32 s2, $0xB;
	s29 =	simm.s32 $0x800;
	s30 =	simm.s32 $0x1000;
	[tilespmem:s4+$0x6850] =	vst v13  }
0x138: {  	s5 =	simm.s32 $0x6400;
	s31 =	simm.s32 $0x2;
	s2 =	sadd.s32 s2, s6;
	[tilespmem:s4+$0x6860] =	vst v14  }
0x139: {  	[hbm4b:s2+s29] =	stream.strided.scatter [tilespmem:s5], [sflag:$0x2], $0x2000, s30, s29, $0x38;
	[tilespmem:$0x8400] =	vst v63  }
0x13a: {  	_ =	swait.ge [sflag:s31], $0x2000  }
0x13b: {  	[sflag:s31] =	ssyncset.done $0x0  }
0x13c: {  	[sflag:s31] =	ssyncadd.s32 $0xFFFFE000  }
0x13d: {  	_ =	swait.ge [sflag:s31], $0x2000  }
0x13e: {  	[sflag:s31] =	ssyncset.done $0x0  }
0x13f: {  	[sflag:s31] =	ssyncadd.s32 $0xFFFFE000  }
0x140: {  	_ =	swait.ge [sflag:s31], $0x2000  }
0x141: {  	[sflag:s31] =	ssyncset.done $0x0  }
0x142: {  	[sflag:s31] =	ssyncadd.s32 $0xFFFFE000  }
0x143: {  	_ =	swait.ge [sflag:s31], $0x2000  }
0x144: {  	[sflag:s31] =	ssyncset.done $0x0  }
0x145: {  	[sflag:s31] =	ssyncadd.s32 $0xFFFFE000  }
0x146: {  	_ =	sfence.sel $0x180000  }
0x147: {  	[bflag:$0x0] =	sbarrier.arrive $0xFFFF  }
0x148: {  	p0 =	sne.s32 s1, $0x0;
	_ =	strace $0x90000047  }
0x149: {  	s0 =	sadd.s32 @!p0 $0x100000, s0;
	[bflag:$0x2] =	sbarrier.arrive $0xFFFF  }
0x14a: {  	[sflag:s0] =	ssyncadd.tile.s32 @!p0 $0x1;
	_ =	shalt  }
.Lfunc_end2:
_tile_overlayer_lowered:
.L_overlay_start_2:
0x14b: {  	(tag) =	ssettag $0x2  }
0x14c: {  	s0 =	rddreg [dreg:$0x0];
	s2 =	stileid.u32  }
0x14d: {  	s1 =	rddreg [dreg:$0x1];
	p0 =	sne.s32 s2, $0x0  }
0x14e: {  	s3 =	rddreg [dreg:$0x2];
	[bflag:$0x3] =	sbarrier.arrive $0xFFFF;
	s2 =	simm.s32 @!p0 $0x1C03  }
0x14f: {  	[timem:s3], [sflag:s2] =	dma.local @!p0 [hbm:s0], s1  }
0x150: {  	s0 =	simm.s32 @!p0 $0x3  }
0x151: {  	_ =	swait.ge @!p0 [sflag:s0], s1  }
0x152: {  	s1 =	ssub.s32 @!p0 $0x0, s1;
	[sflag:s0] =	ssyncset.done @!p0 $0x0  }
0x153: {  	[sflag:s0] =	ssyncadd.s32 @!p0 s1  }
0x154: {  	[bflag:$0x3] =	sbarrier.arrive $0xFFFF  }
0x155: {  	_ =	shalt  }

</sc_bundles>
